<compile_context>
chip_gen: v7x
topology: tpu7x:2x2x1
jax: 0.10.2.dev20260603
libtpu: 0.0.44.dev20260713+nightly
codegen_flags: <defaults>
</compile_context>

<pallas_src>
import functools

import numpy as np
import jax
import jax.numpy as jnp
from jax import lax
from jax.experimental import pallas as pl
from jax.experimental.pallas import tpu as pltpu
from jax.experimental.pallas import tpu_sc as plsc

B = 1024
NJ = 14
COL = 14
NW = 32
BPW = B // NW


def _build_tables():
    radius = 4
    xk = np.arange(-radius, radius + 1)
    k = np.exp(-0.5 * xk.astype(np.float64) ** 2)
    k = (k / k.sum()).astype(np.float32)
    prof = np.zeros((COL, COL), np.float32)
    for c in range(COL):
        d = np.zeros(COL, np.float32)
        d[c] = 1.0
        p = np.pad(d, radius, mode='symmetric')
        for i in range(COL):
            prof[c, i] = np.dot(k, p[i:i + 2 * radius + 1])
    T = prof / prof.max(axis=1, keepdims=True)
    S2 = (T * T).sum(axis=1)
    return T, S2


_T_np, _S2_np = _build_tables()


def _sc_loss(os, h, tv, t14, s2):
    mesh = plsc.VectorSubcoreMesh(core_axis_name="c", subcore_axis_name="s")

    @functools.partial(
        pl.kernel, mesh=mesh,
        compiler_params=pltpu.CompilerParams(needs_layout_passes=False),
        out_type=jax.ShapeDtypeStruct((NW, 2, 16), jnp.float32),
        scratch_types=[
            pltpu.VMEM((NJ * COL, COL), jnp.float32),
            pltpu.VMEM((2 * NJ * COL, COL), jnp.float32),
            pltpu.VMEM((BPW, 4 * NJ), jnp.float32),
            pltpu.VMEM((COL, COL), jnp.float32),
            pltpu.VMEM((COL,), jnp.float32),
            pltpu.VMEM((2, 16), jnp.float32),
            pltpu.SemaphoreType.DMA,
        ],
    )
    def k(os_hbm, h_hbm, tv_hbm, t14_hbm, s2_hbm, out_hbm,
          h_s, os_s, tv_s, t14_s, s2_s, out_s, sem):
        wid = lax.axis_index("s") * 2 + lax.axis_index("c")
        b0 = wid * BPW
        pltpu.sync_copy(t14_hbm, t14_s)
        pltpu.sync_copy(s2_hbm, s2_s)
        pltpu.sync_copy(tv_hbm.at[pl.ds(b0, BPW)], tv_s)

        z16 = lax.iota(jnp.int32, 16)
        jv = jnp.minimum(z16, NJ - 1)
        lmaskf = (z16 < NJ).astype(jnp.float32)
        zero = jnp.zeros((16,), jnp.int32)
        one = zero + 1
        fz = jnp.zeros((16,), jnp.float32)
        scale = 1.0 / COL

        def body_b(bl, carry):
            acc_main, acc2v, accvs = carry
            b = b0 + bl
            hcps = [pltpu.async_copy(
                h_hbm.at[b, j], h_s.at[pl.ds(j * COL, COL)], sem)
                for j in range(NJ)]
            ocps = []

            blv = zero + bl
            c4 = jv * 4
            txg = plsc.load_gather(tv_s, [blv, c4])
            tyg = plsc.load_gather(tv_s, [blv, c4 + 1])
            v0g = plsc.load_gather(tv_s, [blv, c4 + 2]) * lmaskf
            v1g = plsc.load_gather(tv_s, [blv, c4 + 3]) * lmaskf
            xi = jnp.clip((txg * COL).astype(jnp.int32), 0, COL - 1)
            yi = jnp.clip((tyg * COL).astype(jnp.int32), 0, COL - 1)
            txws = [plsc.load_gather(t14_s, [xi, zero + x])
                    for x in range(COL)]

            for cp in hcps:
                cp.wait()

            jc = jv * COL

            def body_y(y, cy):
                best, bestl, sq, bil, r0 = cy
                yv = zero + y
                tyw = plsc.load_gather(t14_s, [yi, yv])
                rh = jc + y
                for x in range(COL):
                    xv = zero + x
                    hv = plsc.load_gather(h_s, [rh, xv])
                    sq = sq + hv * hv
                    bil = bil + hv * (tyw * txws[x])
                    gt = hv > best
                    lv = zero + COL * y + x
                    best = jnp.where(gt, hv, best)
                    bestl = jnp.where(gt, lv, bestl)
                r0 = jnp.where(zero + y == 0, sq, r0)
                return best, bestl, sq, bil, r0

            best, bestl, sq, bil, r0acc = lax.fori_loop(
                0, COL, body_y,
                (fz - 1.0, zero, fz, fz, fz))

            vis = v0g == 1.0
            c2 = jnp.where(vis, -2.0, 0.0)
            tts = plsc.load_gather(s2_s, [yi]) * plsc.load_gather(s2_s, [xi])
            acc_main = acc_main + lmaskf * (
                sq + c2 * bil
                + jnp.where(vis, tts, 0.0)
                - jnp.where(vis, 0.0, r0acc))

            yC = bestl // COL
            xC = bestl - yC * COL
            maskv = best > 0.5
            gx = jnp.where(maskv, v0g * scale, 0.0)
            ux = v0g * jnp.where(maskv, xC.astype(jnp.float32) * scale - txg,
                                 -txg)
            gy = jnp.where(maskv, v1g * scale, 0.0)
            uy = v1g * jnp.where(maskv, yC.astype(jnp.float32) * scale - tyg,
                                 -tyg)

            for cp in ocps:
                cp.wait()
            ox = plsc.load_gather(os_s, [jv * COL + yC, xC])
            oy = plsc.load_gather(os_s, [(jv + NJ) * COL + yC, xC])
            dx = gx * ox + ux
            dy = gy * oy + uy
            acc2v = acc2v + dx * dx + dy * dy
            accvs = accvs + v0g + v1g
            return acc_main, acc2v, accvs

        acc_main, acc2v, accvs = lax.fori_loop(
            0, BPW, body_b, (fz, fz, fz))

        out_s[0, :] = acc_main + acc2v
        out_s[1, :] = accvs
        pltpu.sync_copy(out_s, out_hbm.at[wid])

    return k(os, h, tv, t14, s2)


@jax.jit
def _run(os, h, t, v):
    t14 = jnp.asarray(_T_np)
    s2 = jnp.asarray(_S2_np)
    tv = jnp.concatenate([t, v], axis=-1).reshape(B, 4 * NJ)
    partials = _sc_loss(os, h, tv, t14, s2)
    sums = jnp.sum(partials, axis=(0, 2))
    return sums[0] / (sums[1] * 0.5)


def kernel(os, h, op, t, v):
    return _run(os, h, t, v)

# --- scband reference (transcript-rebuilt; emitter-appended) ---
"""Pipeline reference for scband-mean-squared-error2-87222195847404 (READ-ONLY COPY).

The authoritative reference and input builder live on the scoring server;
editing this copy changes nothing except your own understanding.
"""

import jax, jax.numpy as jnp
import numpy as np

B = 1024
NJ = 14
COL = 14


def _gaussian_kernel(sigma=1.0, truncate=4.0):
    radius = int(truncate * sigma + 0.5)
    xk = np.arange(-radius, radius + 1)
    k = np.exp(-0.5 * (xk / sigma) ** 2)
    k = k / k.sum()
    return jnp.asarray(k, dtype=jnp.float32), radius


def _conv_last_axis(a, k, radius):
    pad = [(0, 0)] * (a.ndim - 1) + [(radius, radius)]
    ap = jnp.pad(a, pad, mode='symmetric')  # scipy mode='reflect' == numpy 'symmetric'
    n = a.shape[-1]
    out = jnp.zeros_like(a)
    for i in range(2 * radius + 1):
        out = out + k[i] * ap[..., i:i + n]
    return out


def _gaussian_filter2d(img, sigma=1.0):
    k, r = _gaussian_kernel(sigma)
    out = _conv_last_axis(img, k, r)
    out = jnp.swapaxes(_conv_last_axis(jnp.swapaxes(out, -1, -2), k, r), -1, -2)
    return out


def setup_inputs(seed: int = 0):
    key = jax.random.key(seed)
    k1, k2, k3, k4, k5 = jax.random.split(key, 5)
    os = jax.random.normal(k1, (B, 2 * NJ, COL, COL), dtype=jnp.float32)
    h = jax.random.uniform(k2, (B, NJ, COL, COL), dtype=jnp.float32)
    op = jax.random.uniform(k3, (B, NJ, 3), dtype=jnp.float32)
    t = jax.random.uniform(k4, (B, NJ, 2), dtype=jnp.float32)
    v = jax.random.randint(k5, (B, NJ, 2), 0, 2).astype(jnp.float32)
    return {"os": os, "h": h, "op": op, "t": t, "v": v}


def _forward(os, h, op, t, v):
    Bc, Njc, col, _ = h.shape
    scale = 1.0 / float(col)
    # argmax decode of predicted heatmaps
    reshaped = h.reshape(Bc, Njc, col * col)
    vals = jnp.max(reshaped, axis=-1)
    argmax = jnp.argmax(reshaped, axis=-1)
    yC = argmax // col
    xC = argmax - yC * col
    bi = jnp.arange(Bc)[:, None]
    jj = jnp.arange(Njc)[None, :]
    ox = os[bi, jj, yC, xC]
    oy = os[bi, jj + Njc, yC, xC]
    mask = vals > 0.5
    x0 = jnp.where(mask, (ox + xC.astype(jnp.float32)) * scale, 0.0)
    x1 = jnp.where(mask, (oy + yC.astype(jnp.float32)) * scale, 0.0)
    x = jnp.stack([x0, x1], axis=-1)

    # target heatmaps tt: delta at clamped int target coords, gaussian(sigma=1), min-max norm;
    # zeros for invisible joints. Constant w.r.t. grads (torch builds it from numpy, detached).
    ti = t * col
    xi = jnp.clip(ti[:, :, 0].astype(jnp.int32), 0, col - 1)
    yi = jnp.clip(ti[:, :, 1].astype(jnp.int32), 0, col - 1)
    delta = jnp.zeros((Bc, Njc, col, col), jnp.float32).at[bi, jj, yi, xi].set(1.0)
    filt = _gaussian_filter2d(delta, 1.0)
    mn = filt.min(axis=(-2, -1), keepdims=True)
    mx = filt.max(axis=(-2, -1), keepdims=True)
    norm = (filt - mn) / (mx - mn)
    vis = (v[:, :, 0].astype(jnp.int32) == 1)
    tt = jnp.where(vis[:, :, None, None], norm, 0.0)
    tt = jax.lax.stop_gradient(tt)

    diff1 = h - tt
    # original zeroes only row 0 of the 14x14 diff map for invisible joints
    row0_keep = jnp.where(v[:, :, 0].astype(jnp.int32) == 0, 0.0, 1.0)
    diff1 = diff1.at[:, :, 0, :].multiply(row0_keep[:, :, None])
    N1 = jax.lax.stop_gradient(v.sum() / 2.0)  # .data[0] detaches in torch
    d1 = jnp.sum(diff1 * diff1) / N1

    diff2 = (x - t) * v
    d2 = jnp.sum(diff2 * diff2) / N1
    # first `return d1 + d2` executes in the original; d3/d4 are dead code
    return d1 + d2


def reference(os, h, op, t, v):
    return _forward(os, h, op, t, v)

if __name__ == "__main__":
    import jax
    _d = setup_inputs()
    print(jax.jit(kernel)(*tuple(_d.values())))

</pallas_src>

<mosaic_0001>
#map = affine_map<(d0, d1) -> (0, 0, 0, 0)>
#map1 = affine_map<(d0, d1) -> (0, 0)>
#map2 = affine_map<(d0, d1) -> (0)>
#map3 = affine_map<(d0, d1) -> (0, 0, 0)>
module attributes {stable_mosaic.version = 14 : i64} {
  func.func @k(%arg0: i32, %arg1: i32, %arg2: memref<1024x28x14x14xf32, #tpu.memory_space<hbm>>, %arg3: memref<1024x14x14x14xf32, #tpu.memory_space<hbm>>, %arg4: memref<1024x56xf32, #tpu.memory_space<hbm>>, %arg5: memref<14x14xf32, #tpu.memory_space<hbm>>, %arg6: memref<14xf32, #tpu.memory_space<hbm>>, %arg7: memref<32x2x16xf32, #tpu.memory_space<hbm>>, %arg8: memref<196x14xf32, #tpu.memory_space<vmem>>, %arg9: memref<392x14xf32, #tpu.memory_space<vmem>>, %arg10: memref<32x56xf32, #tpu.memory_space<vmem>>, %arg11: memref<14x14xf32, #tpu.memory_space<vmem>>, %arg12: memref<14xf32, #tpu.memory_space<vmem>>, %arg13: memref<2x16xf32, #tpu.memory_space<vmem>>, %arg14: memref<!tpu.dma_semaphore, #tpu.memory_space<semaphore_mem>>) attributes {dimension_semantics = [#tpu.dimension_semantics<core_parallel>, #tpu.dimension_semantics<subcore_parallel>], iteration_bounds = array<i64: 2, 16>, scalar_prefetch = 0 : i64, scratch_operands = 7 : i64, tpu.core_type = #tpu.core_type<sc_vector_subcore>, window_params = [{transform_indices = #map}, {transform_indices = #map}, {transform_indices = #map1}, {transform_indices = #map1}, {transform_indices = #map2}, {transform_indices = #map3}]} {
    %mul3A = arith.constant 2 : i32
    %mul3A_0 = arith.muli %arg1, %mul3A : i32
    %add3A = arith.addi %mul3A_0, %arg0 : i32
    %mul3A_1 = arith.constant 32 : i32
    %mul3A_2 = arith.muli %add3A, %mul3A_1 : i32
    "tpu.region"() ({
      %run_scoped3A = tpu.sem_alloc : memref<!tpu.dma_semaphore, #tpu.memory_space<semaphore_mem>>
      tpu.enqueue_dma source(%arg5 : memref<14x14xf32, #tpu.memory_space<hbm>>) target(%arg11 : memref<14x14xf32, #tpu.memory_space<vmem>>) target_semaphore(%run_scoped3A : memref<!tpu.dma_semaphore, #tpu.memory_space<semaphore_mem>>)
      tpu.wait_dma2 semaphore(%run_scoped3A : memref<!tpu.dma_semaphore, #tpu.memory_space<semaphore_mem>>) src(%arg5 : memref<14x14xf32, #tpu.memory_space<hbm>>) dst(%arg11 : memref<14x14xf32, #tpu.memory_space<vmem>>)
      tpu.yield
    }) : () -> ()
    "tpu.region"() ({
      %run_scoped3A = tpu.sem_alloc : memref<!tpu.dma_semaphore, #tpu.memory_space<semaphore_mem>>
      tpu.enqueue_dma source(%arg6 : memref<14xf32, #tpu.memory_space<hbm>>) target(%arg12 : memref<14xf32, #tpu.memory_space<vmem>>) target_semaphore(%run_scoped3A : memref<!tpu.dma_semaphore, #tpu.memory_space<semaphore_mem>>)
      tpu.wait_dma2 semaphore(%run_scoped3A : memref<!tpu.dma_semaphore, #tpu.memory_space<semaphore_mem>>) src(%arg6 : memref<14xf32, #tpu.memory_space<hbm>>) dst(%arg12 : memref<14xf32, #tpu.memory_space<vmem>>)
      tpu.yield
    }) : () -> ()
    "tpu.region"() ({
      %run_scoped3A = tpu.sem_alloc : memref<!tpu.dma_semaphore, #tpu.memory_space<semaphore_mem>>
      %dma_start3A = arith.constant 0 : i32
      %dma_start3A_27 = tpu.memref_slice %arg4[%mul3A_2, %dma_start3A] : memref<1024x56xf32, #tpu.memory_space<hbm>> -> memref<32x56xf32, #tpu.memory_space<hbm>>
      %dma_start3A_28 = arith.constant 0 : i32
      %dma_start3A_29 = tpu.memref_slice %arg4[%mul3A_2, %dma_start3A_28] : memref<1024x56xf32, #tpu.memory_space<hbm>> -> memref<32x56xf32, #tpu.memory_space<hbm>>
      tpu.enqueue_dma source(%dma_start3A_29 : memref<32x56xf32, #tpu.memory_space<hbm>>) target(%arg10 : memref<32x56xf32, #tpu.memory_space<vmem>>) target_semaphore(%run_scoped3A : memref<!tpu.dma_semaphore, #tpu.memory_space<semaphore_mem>>)
      %dma_wait3A = arith.constant 0 : i32
      %dma_wait3A_30 = tpu.memref_slice %arg4[%mul3A_2, %dma_wait3A] : memref<1024x56xf32, #tpu.memory_space<hbm>> -> memref<32x56xf32, #tpu.memory_space<hbm>>
      %dma_wait3A_31 = arith.constant 0 : i32
      %dma_wait3A_32 = tpu.memref_slice %arg4[%mul3A_2, %dma_wait3A_31] : memref<1024x56xf32, #tpu.memory_space<hbm>> -> memref<32x56xf32, #tpu.memory_space<hbm>>
      tpu.wait_dma2 semaphore(%run_scoped3A : memref<!tpu.dma_semaphore, #tpu.memory_space<semaphore_mem>>) src(%dma_wait3A_32 : memref<32x56xf32, #tpu.memory_space<hbm>>) dst(%arg10 : memref<32x56xf32, #tpu.memory_space<vmem>>)
      tpu.yield
    }) : () -> ()
    %iota3A = tpu.iota {dimensions = array<i32: 0>} : vector<16xi32>
    %min3A = arith.constant 13 : i32
    %min3A_3 = vector.broadcast %min3A : i32 to vector<16xi32>
    %min3A_4 = arith.minsi %iota3A, %min3A_3 : vector<16xi32>
    %lt3A = arith.constant 14 : i32
    %lt3A_5 = vector.broadcast %lt3A : i32 to vector<16xi32>
    %lt3A_6 = arith.cmpi slt, %iota3A, %lt3A_5 : vector<16xi32>
    %convert_element_type3A = arith.extui %lt3A_6 : vector<16xi1> to vector<16xi32>
    %convert_element_type3A_7 = arith.sitofp %convert_element_type3A : vector<16xi32> to vector<16xf32>
    %broadcast_in_dim3A = arith.constant 0 : i32
    %broadcast_in_dim3A_8 = vector.broadcast %broadcast_in_dim3A : i32 to vector<16xi32>
    %add3A_9 = arith.constant 1 : i32
    %add3A_10 = vector.broadcast %add3A_9 : i32 to vector<16xi32>
    %add3A_11 = arith.addi %broadcast_in_dim3A_8, %add3A_10 : vector<16xi32>
    %broadcast_in_dim3A_12 = arith.constant 0.000000e+00 : f32
    %broadcast_in_dim3A_13 = vector.broadcast %broadcast_in_dim3A_12 : f32 to vector<16xf32>
    %scan3A = arith.constant 0 : i32
    %scan3A_14 = arith.constant 32 : i32
    %scan3A_15 = arith.addi %scan3A, %scan3A_14 : i32
    %scan3A_16 = arith.constant 1 : i32
    %scan3A_17:3 = scf.for %scan3A_27 = %scan3A to %scan3A_15 step %scan3A_16 iter_args(%scan3A_28 = %broadcast_in_dim3A_13, %scan3A_29 = %broadcast_in_dim3A_13, %scan3A_30 = %broadcast_in_dim3A_13) -> (vector<16xf32>, vector<16xf32>, vector<16xf32>)  : i32 {
      %add3A_31 = arith.addi %mul3A_2, %scan3A_27 : i32
      %dma_start3A = arith.constant 0 : i32
      %dma_start3A_32 = arith.constant 0 : i32
      %dma_start3A_33 = arith.constant 0 : i32
      %dma_start3A_34 = tpu.memref_slice %arg8[%dma_start3A_32, %dma_start3A_33] : memref<196x14xf32, #tpu.memory_space<vmem>> -> memref<14x14xf32, #tpu.memory_space<vmem>>
      %dma_start3A_35 = arith.constant 0 : i32
      %dma_start3A_36 = arith.constant 0 : i32
      %dma_start3A_37 = tpu.memref_slice %arg3[%add3A_31, %dma_start3A, %dma_start3A_35, %dma_start3A_36] : memref<1024x14x14x14xf32, #tpu.memory_space<hbm>> -> memref<1x1x14x14xf32, #tpu.memory_space<hbm>>
      %dma_start3A_38 = tpu.memref_squeeze %dma_start3A_37 : memref<1x1x14x14xf32, #tpu.memory_space<hbm>> -> memref<14x14xf32, #tpu.memory_space<hbm>>
      %dma_start3A_39 = arith.constant 0 : i32
      %dma_start3A_40 = arith.constant 0 : i32
      %dma_start3A_41 = tpu.memref_slice %arg8[%dma_start3A_39, %dma_start3A_40] : memref<196x14xf32, #tpu.memory_space<vmem>> -> memref<14x14xf32, #tpu.memory_space<vmem>>
      %dma_start3A_42 = arith.constant 0 : i32
      %dma_start3A_43 = arith.constant 0 : i32
      %dma_start3A_44 = tpu.memref_slice %arg3[%add3A_31, %dma_start3A, %dma_start3A_42, %dma_start3A_43] : memref<1024x14x14x14xf32, #tpu.memory_space<hbm>> -> memref<1x1x14x14xf32, #tpu.memory_space<hbm>>
      %dma_start3A_45 = tpu.memref_squeeze %dma_start3A_44 : memref<1x1x14x14xf32, #tpu.memory_space<hbm>> -> memref<14x14xf32, #tpu.memory_space<hbm>>
      tpu.enqueue_dma source(%dma_start3A_45 : memref<14x14xf32, #tpu.memory_space<hbm>>) target(%dma_start3A_41 : memref<14x14xf32, #tpu.memory_space<vmem>>) target_semaphore(%arg14 : memref<!tpu.dma_semaphore, #tpu.memory_space<semaphore_mem>>)
      %dma_start3A_46 = arith.constant 1 : i32
      %dma_start3A_47 = arith.constant 14 : i32
      %dma_start3A_48 = arith.constant 0 : i32
      %dma_start3A_49 = tpu.memref_slice %arg8[%dma_start3A_47, %dma_start3A_48] : memref<196x14xf32, #tpu.memory_space<vmem>> -> memref<14x14xf32, #tpu.memory_space<vmem>>
      %dma_start3A_50 = arith.constant 0 : i32
      %dma_start3A_51 = arith.constant 0 : i32
      %dma_start3A_52 = tpu.memref_slice %arg3[%add3A_31, %dma_start3A_46, %dma_start3A_50, %dma_start3A_51] : memref<1024x14x14x14xf32, #tpu.memory_space<hbm>> -> memref<1x1x14x14xf32, #tpu.memory_space<hbm>>
      %dma_start3A_53 = tpu.memref_squeeze %dma_start3A_52 : memref<1x1x14x14xf32, #tpu.memory_space<hbm>> -> memref<14x14xf32, #tpu.memory_space<hbm>>
      %dma_start3A_54 = arith.constant 14 : i32
      %dma_start3A_55 = arith.constant 0 : i32
      %dma_start3A_56 = tpu.memref_slice %arg8[%dma_start3A_54, %dma_start3A_55] : memref<196x14xf32, #tpu.memory_space<vmem>> -> memref<14x14xf32, #tpu.memory_space<vmem>>
      %dma_start3A_57 = arith.constant 0 : i32
      %dma_start3A_58 = arith.constant 0 : i32
      %dma_start3A_59 = tpu.memref_slice %arg3[%add3A_31, %dma_start3A_46, %dma_start3A_57, %dma_start3A_58] : memref<1024x14x14x14xf32, #tpu.memory_space<hbm>> -> memref<1x1x14x14xf32, #tpu.memory_space<hbm>>
      %dma_start3A_60 = tpu.memref_squeeze %dma_start3A_59 : memref<1x1x14x14xf32, #tpu.memory_space<hbm>> -> memref<14x14xf32, #tpu.memory_space<hbm>>
      tpu.enqueue_dma source(%dma_start3A_60 : memref<14x14xf32, #tpu.memory_space<hbm>>) target(%dma_start3A_56 : memref<14x14xf32, #tpu.memory_space<vmem>>) target_semaphore(%arg14 : memref<!tpu.dma_semaphore, #tpu.memory_space<semaphore_mem>>)
      %dma_start3A_61 = arith.constant 2 : i32
      %dma_start3A_62 = arith.constant 28 : i32
      %dma_start3A_63 = arith.constant 0 : i32
      %dma_start3A_64 = tpu.memref_slice %arg8[%dma_start3A_62, %dma_start3A_63] : memref<196x14xf32, #tpu.memory_space<vmem>> -> memref<14x14xf32, #tpu.memory_space<vmem>>
      %dma_start3A_65 = arith.constant 0 : i32
      %dma_start3A_66 = arith.constant 0 : i32
      %dma_start3A_67 = tpu.memref_slice %arg3[%add3A_31, %dma_start3A_61, %dma_start3A_65, %dma_start3A_66] : memref<1024x14x14x14xf32, #tpu.memory_space<hbm>> -> memref<1x1x14x14xf32, #tpu.memory_space<hbm>>
      %dma_start3A_68 = tpu.memref_squeeze %dma_start3A_67 : memref<1x1x14x14xf32, #tpu.memory_space<hbm>> -> memref<14x14xf32, #tpu.memory_space<hbm>>
      %dma_start3A_69 = arith.constant 28 : i32
      %dma_start3A_70 = arith.constant 0 : i32
      %dma_start3A_71 = tpu.memref_slice %arg8[%dma_start3A_69, %dma_start3A_70] : memref<196x14xf32, #tpu.memory_space<vmem>> -> memref<14x14xf32, #tpu.memory_space<vmem>>
      %dma_start3A_72 = arith.constant 0 : i32
      %dma_start3A_73 = arith.constant 0 : i32
      %dma_start3A_74 = tpu.memref_slice %arg3[%add3A_31, %dma_start3A_61, %dma_start3A_72, %dma_start3A_73] : memref<1024x14x14x14xf32, #tpu.memory_space<hbm>> -> memref<1x1x14x14xf32, #tpu.memory_space<hbm>>
      %dma_start3A_75 = tpu.memref_squeeze %dma_start3A_74 : memref<1x1x14x14xf32, #tpu.memory_space<hbm>> -> memref<14x14xf32, #tpu.memory_space<hbm>>
      tpu.enqueue_dma source(%dma_start3A_75 : memref<14x14xf32, #tpu.memory_space<hbm>>) target(%dma_start3A_71 : memref<14x14xf32, #tpu.memory_space<vmem>>) target_semaphore(%arg14 : memref<!tpu.dma_semaphore, #tpu.memory_space<semaphore_mem>>)
      %dma_start3A_76 = arith.constant 3 : i32
      %dma_start3A_77 = arith.constant 42 : i32
      %dma_start3A_78 = arith.constant 0 : i32
      %dma_start3A_79 = tpu.memref_slice %arg8[%dma_start3A_77, %dma_start3A_78] : memref<196x14xf32, #tpu.memory_space<vmem>> -> memref<14x14xf32, #tpu.memory_space<vmem>>
      %dma_start3A_80 = arith.constant 0 : i32
      %dma_start3A_81 = arith.constant 0 : i32
      %dma_start3A_82 = tpu.memref_slice %arg3[%add3A_31, %dma_start3A_76, %dma_start3A_80, %dma_start3A_81] : memref<1024x14x14x14xf32, #tpu.memory_space<hbm>> -> memref<1x1x14x14xf32, #tpu.memory_space<hbm>>
      %dma_start3A_83 = tpu.memref_squeeze %dma_start3A_82 : memref<1x1x14x14xf32, #tpu.memory_space<hbm>> -> memref<14x14xf32, #tpu.memory_space<hbm>>
      %dma_start3A_84 = arith.constant 42 : i32
      %dma_start3A_85 = arith.constant 0 : i32
      %dma_start3A_86 = tpu.memref_slice %arg8[%dma_start3A_84, %dma_start3A_85] : memref<196x14xf32, #tpu.memory_space<vmem>> -> memref<14x14xf32, #tpu.memory_space<vmem>>
      %dma_start3A_87 = arith.constant 0 : i32
      %dma_start3A_88 = arith.constant 0 : i32
      %dma_start3A_89 = tpu.memref_slice %arg3[%add3A_31, %dma_start3A_76, %dma_start3A_87, %dma_start3A_88] : memref<1024x14x14x14xf32, #tpu.memory_space<hbm>> -> memref<1x1x14x14xf32, #tpu.memory_space<hbm>>
      %dma_start3A_90 = tpu.memref_squeeze %dma_start3A_89 : memref<1x1x14x14xf32, #tpu.memory_space<hbm>> -> memref<14x14xf32, #tpu.memory_space<hbm>>
      tpu.enqueue_dma source(%dma_start3A_90 : memref<14x14xf32, #tpu.memory_space<hbm>>) target(%dma_start3A_86 : memref<14x14xf32, #tpu.memory_space<vmem>>) target_semaphore(%arg14 : memref<!tpu.dma_semaphore, #tpu.memory_space<semaphore_mem>>)
      %dma_start3A_91 = arith.constant 4 : i32
      %dma_start3A_92 = arith.constant 56 : i32
      %dma_start3A_93 = arith.constant 0 : i32
      %dma_start3A_94 = tpu.memref_slice %arg8[%dma_start3A_92, %dma_start3A_93] : memref<196x14xf32, #tpu.memory_space<vmem>> -> memref<14x14xf32, #tpu.memory_space<vmem>>
      %dma_start3A_95 = arith.constant 0 : i32
      %dma_start3A_96 = arith.constant 0 : i32
      %dma_start3A_97 = tpu.memref_slice %arg3[%add3A_31, %dma_start3A_91, %dma_start3A_95, %dma_start3A_96] : memref<1024x14x14x14xf32, #tpu.memory_space<hbm>> -> memref<1x1x14x14xf32, #tpu.memory_space<hbm>>
      %dma_start3A_98 = tpu.memref_squeeze %dma_start3A_97 : memref<1x1x14x14xf32, #tpu.memory_space<hbm>> -> memref<14x14xf32, #tpu.memory_space<hbm>>
      %dma_start3A_99 = arith.constant 56 : i32
      %dma_start3A_100 = arith.constant 0 : i32
      %dma_start3A_101 = tpu.memref_slice %arg8[%dma_start3A_99, %dma_start3A_100] : memref<196x14xf32, #tpu.memory_space<vmem>> -> memref<14x14xf32, #tpu.memory_space<vmem>>
      %dma_start3A_102 = arith.constant 0 : i32
      %dma_start3A_103 = arith.constant 0 : i32
      %dma_start3A_104 = tpu.memref_slice %arg3[%add3A_31, %dma_start3A_91, %dma_start3A_102, %dma_start3A_103] : memref<1024x14x14x14xf32, #tpu.memory_space<hbm>> -> memref<1x1x14x14xf32, #tpu.memory_space<hbm>>
      %dma_start3A_105 = tpu.memref_squeeze %dma_start3A_104 : memref<1x1x14x14xf32, #tpu.memory_space<hbm>> -> memref<14x14xf32, #tpu.memory_space<hbm>>
      tpu.enqueue_dma source(%dma_start3A_105 : memref<14x14xf32, #tpu.memory_space<hbm>>) target(%dma_start3A_101 : memref<14x14xf32, #tpu.memory_space<vmem>>) target_semaphore(%arg14 : memref<!tpu.dma_semaphore, #tpu.memory_space<semaphore_mem>>)
      %dma_start3A_106 = arith.constant 5 : i32
      %dma_start3A_107 = arith.constant 70 : i32
      %dma_start3A_108 = arith.constant 0 : i32
      %dma_start3A_109 = tpu.memref_slice %arg8[%dma_start3A_107, %dma_start3A_108] : memref<196x14xf32, #tpu.memory_space<vmem>> -> memref<14x14xf32, #tpu.memory_space<vmem>>
      %dma_start3A_110 = arith.constant 0 : i32
      %dma_start3A_111 = arith.constant 0 : i32
      %dma_start3A_112 = tpu.memref_slice %arg3[%add3A_31, %dma_start3A_106, %dma_start3A_110, %dma_start3A_111] : memref<1024x14x14x14xf32, #tpu.memory_space<hbm>> -> memref<1x1x14x14xf32, #tpu.memory_space<hbm>>
      %dma_start3A_113 = tpu.memref_squeeze %dma_start3A_112 : memref<1x1x14x14xf32, #tpu.memory_space<hbm>> -> memref<14x14xf32, #tpu.memory_space<hbm>>
      %dma_start3A_114 = arith.constant 70 : i32
      %dma_start3A_115 = arith.constant 0 : i32
      %dma_start3A_116 = tpu.memref_slice %arg8[%dma_start3A_114, %dma_start3A_115] : memref<196x14xf32, #tpu.memory_space<vmem>> -> memref<14x14xf32, #tpu.memory_space<vmem>>
      %dma_start3A_117 = arith.constant 0 : i32
      %dma_start3A_118 = arith.constant 0 : i32
      %dma_start3A_119 = tpu.memref_slice %arg3[%add3A_31, %dma_start3A_106, %dma_start3A_117, %dma_start3A_118] : memref<1024x14x14x14xf32, #tpu.memory_space<hbm>> -> memref<1x1x14x14xf32, #tpu.memory_space<hbm>>
      %dma_start3A_120 = tpu.memref_squeeze %dma_start3A_119 : memref<1x1x14x14xf32, #tpu.memory_space<hbm>> -> memref<14x14xf32, #tpu.memory_space<hbm>>
      tpu.enqueue_dma source(%dma_start3A_120 : memref<14x14xf32, #tpu.memory_space<hbm>>) target(%dma_start3A_116 : memref<14x14xf32, #tpu.memory_space<vmem>>) target_semaphore(%arg14 : memref<!tpu.dma_semaphore, #tpu.memory_space<semaphore_mem>>)
      %dma_start3A_121 = arith.constant 6 : i32
      %dma_start3A_122 = arith.constant 84 : i32
      %dma_start3A_123 = arith.constant 0 : i32
      %dma_start3A_124 = tpu.memref_slice %arg8[%dma_start3A_122, %dma_start3A_123] : memref<196x14xf32, #tpu.memory_space<vmem>> -> memref<14x14xf32, #tpu.memory_space<vmem>>
      %dma_start3A_125 = arith.constant 0 : i32
      %dma_start3A_126 = arith.constant 0 : i32
      %dma_start3A_127 = tpu.memref_slice %arg3[%add3A_31, %dma_start3A_121, %dma_start3A_125, %dma_start3A_126] : memref<1024x14x14x14xf32, #tpu.memory_space<hbm>> -> memref<1x1x14x14xf32, #tpu.memory_space<hbm>>
      %dma_start3A_128 = tpu.memref_squeeze %dma_start3A_127 : memref<1x1x14x14xf32, #tpu.memory_space<hbm>> -> memref<14x14xf32, #tpu.memory_space<hbm>>
      %dma_start3A_129 = arith.constant 84 : i32
      %dma_start3A_130 = arith.constant 0 : i32
      %dma_start3A_131 = tpu.memref_slice %arg8[%dma_start3A_129, %dma_start3A_130] : memref<196x14xf32, #tpu.memory_space<vmem>> -> memref<14x14xf32, #tpu.memory_space<vmem>>
      %dma_start3A_132 = arith.constant 0 : i32
      %dma_start3A_133 = arith.constant 0 : i32
      %dma_start3A_134 = tpu.memref_slice %arg3[%add3A_31, %dma_start3A_121, %dma_start3A_132, %dma_start3A_133] : memref<1024x14x14x14xf32, #tpu.memory_space<hbm>> -> memref<1x1x14x14xf32, #tpu.memory_space<hbm>>
      %dma_start3A_135 = tpu.memref_squeeze %dma_start3A_134 : memref<1x1x14x14xf32, #tpu.memory_space<hbm>> -> memref<14x14xf32, #tpu.memory_space<hbm>>
      tpu.enqueue_dma source(%dma_start3A_135 : memref<14x14xf32, #tpu.memory_space<hbm>>) target(%dma_start3A_131 : memref<14x14xf32, #tpu.memory_space<vmem>>) target_semaphore(%arg14 : memref<!tpu.dma_semaphore, #tpu.memory_space<semaphore_mem>>)
      %dma_start3A_136 = arith.constant 7 : i32
      %dma_start3A_137 = arith.constant 98 : i32
      %dma_start3A_138 = arith.constant 0 : i32
      %dma_start3A_139 = tpu.memref_slice %arg8[%dma_start3A_137, %dma_start3A_138] : memref<196x14xf32, #tpu.memory_space<vmem>> -> memref<14x14xf32, #tpu.memory_space<vmem>>
      %dma_start3A_140 = arith.constant 0 : i32
      %dma_start3A_141 = arith.constant 0 : i32
      %dma_start3A_142 = tpu.memref_slice %arg3[%add3A_31, %dma_start3A_136, %dma_start3A_140, %dma_start3A_141] : memref<1024x14x14x14xf32, #tpu.memory_space<hbm>> -> memref<1x1x14x14xf32, #tpu.memory_space<hbm>>
      %dma_start3A_143 = tpu.memref_squeeze %dma_start3A_142 : memref<1x1x14x14xf32, #tpu.memory_space<hbm>> -> memref<14x14xf32, #tpu.memory_space<hbm>>
      %dma_start3A_144 = arith.constant 98 : i32
      %dma_start3A_145 = arith.constant 0 : i32
      %dma_start3A_146 = tpu.memref_slice %arg8[%dma_start3A_144, %dma_start3A_145] : memref<196x14xf32, #tpu.memory_space<vmem>> -> memref<14x14xf32, #tpu.memory_space<vmem>>
      %dma_start3A_147 = arith.constant 0 : i32
      %dma_start3A_148 = arith.constant 0 : i32
      %dma_start3A_149 = tpu.memref_slice %arg3[%add3A_31, %dma_start3A_136, %dma_start3A_147, %dma_start3A_148] : memref<1024x14x14x14xf32, #tpu.memory_space<hbm>> -> memref<1x1x14x14xf32, #tpu.memory_space<hbm>>
      %dma_start3A_150 = tpu.memref_squeeze %dma_start3A_149 : memref<1x1x14x14xf32, #tpu.memory_space<hbm>> -> memref<14x14xf32, #tpu.memory_space<hbm>>
      tpu.enqueue_dma source(%dma_start3A_150 : memref<14x14xf32, #tpu.memory_space<hbm>>) target(%dma_start3A_146 : memref<14x14xf32, #tpu.memory_space<vmem>>) target_semaphore(%arg14 : memref<!tpu.dma_semaphore, #tpu.memory_space<semaphore_mem>>)
      %dma_start3A_151 = arith.constant 8 : i32
      %dma_start3A_152 = arith.constant 112 : i32
      %dma_start3A_153 = arith.constant 0 : i32
      %dma_start3A_154 = tpu.memref_slice %arg8[%dma_start3A_152, %dma_start3A_153] : memref<196x14xf32, #tpu.memory_space<vmem>> -> memref<14x14xf32, #tpu.memory_space<vmem>>
      %dma_start3A_155 = arith.constant 0 : i32
      %dma_start3A_156 = arith.constant 0 : i32
      %dma_start3A_157 = tpu.memref_slice %arg3[%add3A_31, %dma_start3A_151, %dma_start3A_155, %dma_start3A_156] : memref<1024x14x14x14xf32, #tpu.memory_space<hbm>> -> memref<1x1x14x14xf32, #tpu.memory_space<hbm>>
      %dma_start3A_158 = tpu.memref_squeeze %dma_start3A_157 : memref<1x1x14x14xf32, #tpu.memory_space<hbm>> -> memref<14x14xf32, #tpu.memory_space<hbm>>
      %dma_start3A_159 = arith.constant 112 : i32
      %dma_start3A_160 = arith.constant 0 : i32
      %dma_start3A_161 = tpu.memref_slice %arg8[%dma_start3A_159, %dma_start3A_160] : memref<196x14xf32, #tpu.memory_space<vmem>> -> memref<14x14xf32, #tpu.memory_space<vmem>>
      %dma_start3A_162 = arith.constant 0 : i32
      %dma_start3A_163 = arith.constant 0 : i32
      %dma_start3A_164 = tpu.memref_slice %arg3[%add3A_31, %dma_start3A_151, %dma_start3A_162, %dma_start3A_163] : memref<1024x14x14x14xf32, #tpu.memory_space<hbm>> -> memref<1x1x14x14xf32, #tpu.memory_space<hbm>>
      %dma_start3A_165 = tpu.memref_squeeze %dma_start3A_164 : memref<1x1x14x14xf32, #tpu.memory_space<hbm>> -> memref<14x14xf32, #tpu.memory_space<hbm>>
      tpu.enqueue_dma source(%dma_start3A_165 : memref<14x14xf32, #tpu.memory_space<hbm>>) target(%dma_start3A_161 : memref<14x14xf32, #tpu.memory_space<vmem>>) target_semaphore(%arg14 : memref<!tpu.dma_semaphore, #tpu.memory_space<semaphore_mem>>)
      %dma_start3A_166 = arith.constant 9 : i32
      %dma_start3A_167 = arith.constant 126 : i32
      %dma_start3A_168 = arith.constant 0 : i32
      %dma_start3A_169 = tpu.memref_slice %arg8[%dma_start3A_167, %dma_start3A_168] : memref<196x14xf32, #tpu.memory_space<vmem>> -> memref<14x14xf32, #tpu.memory_space<vmem>>
      %dma_start3A_170 = arith.constant 0 : i32
      %dma_start3A_171 = arith.constant 0 : i32
      %dma_start3A_172 = tpu.memref_slice %arg3[%add3A_31, %dma_start3A_166, %dma_start3A_170, %dma_start3A_171] : memref<1024x14x14x14xf32, #tpu.memory_space<hbm>> -> memref<1x1x14x14xf32, #tpu.memory_space<hbm>>
      %dma_start3A_173 = tpu.memref_squeeze %dma_start3A_172 : memref<1x1x14x14xf32, #tpu.memory_space<hbm>> -> memref<14x14xf32, #tpu.memory_space<hbm>>
      %dma_start3A_174 = arith.constant 126 : i32
      %dma_start3A_175 = arith.constant 0 : i32
      %dma_start3A_176 = tpu.memref_slice %arg8[%dma_start3A_174, %dma_start3A_175] : memref<196x14xf32, #tpu.memory_space<vmem>> -> memref<14x14xf32, #tpu.memory_space<vmem>>
      %dma_start3A_177 = arith.constant 0 : i32
      %dma_start3A_178 = arith.constant 0 : i32
      %dma_start3A_179 = tpu.memref_slice %arg3[%add3A_31, %dma_start3A_166, %dma_start3A_177, %dma_start3A_178] : memref<1024x14x14x14xf32, #tpu.memory_space<hbm>> -> memref<1x1x14x14xf32, #tpu.memory_space<hbm>>
      %dma_start3A_180 = tpu.memref_squeeze %dma_start3A_179 : memref<1x1x14x14xf32, #tpu.memory_space<hbm>> -> memref<14x14xf32, #tpu.memory_space<hbm>>
      tpu.enqueue_dma source(%dma_start3A_180 : memref<14x14xf32, #tpu.memory_space<hbm>>) target(%dma_start3A_176 : memref<14x14xf32, #tpu.memory_space<vmem>>) target_semaphore(%arg14 : memref<!tpu.dma_semaphore, #tpu.memory_space<semaphore_mem>>)
      %dma_start3A_181 = arith.constant 10 : i32
      %dma_start3A_182 = arith.constant 140 : i32
      %dma_start3A_183 = arith.constant 0 : i32
      %dma_start3A_184 = tpu.memref_slice %arg8[%dma_start3A_182, %dma_start3A_183] : memref<196x14xf32, #tpu.memory_space<vmem>> -> memref<14x14xf32, #tpu.memory_space<vmem>>
      %dma_start3A_185 = arith.constant 0 : i32
      %dma_start3A_186 = arith.constant 0 : i32
      %dma_start3A_187 = tpu.memref_slice %arg3[%add3A_31, %dma_start3A_181, %dma_start3A_185, %dma_start3A_186] : memref<1024x14x14x14xf32, #tpu.memory_space<hbm>> -> memref<1x1x14x14xf32, #tpu.memory_space<hbm>>
      %dma_start3A_188 = tpu.memref_squeeze %dma_start3A_187 : memref<1x1x14x14xf32, #tpu.memory_space<hbm>> -> memref<14x14xf32, #tpu.memory_space<hbm>>
      %dma_start3A_189 = arith.constant 140 : i32
      %dma_start3A_190 = arith.constant 0 : i32
      %dma_start3A_191 = tpu.memref_slice %arg8[%dma_start3A_189, %dma_start3A_190] : memref<196x14xf32, #tpu.memory_space<vmem>> -> memref<14x14xf32, #tpu.memory_space<vmem>>
      %dma_start3A_192 = arith.constant 0 : i32
      %dma_start3A_193 = arith.constant 0 : i32
      %dma_start3A_194 = tpu.memref_slice %arg3[%add3A_31, %dma_start3A_181, %dma_start3A_192, %dma_start3A_193] : memref<1024x14x14x14xf32, #tpu.memory_space<hbm>> -> memref<1x1x14x14xf32, #tpu.memory_space<hbm>>
      %dma_start3A_195 = tpu.memref_squeeze %dma_start3A_194 : memref<1x1x14x14xf32, #tpu.memory_space<hbm>> -> memref<14x14xf32, #tpu.memory_space<hbm>>
      tpu.enqueue_dma source(%dma_start3A_195 : memref<14x14xf32, #tpu.memory_space<hbm>>) target(%dma_start3A_191 : memref<14x14xf32, #tpu.memory_space<vmem>>) target_semaphore(%arg14 : memref<!tpu.dma_semaphore, #tpu.memory_space<semaphore_mem>>)
      %dma_start3A_196 = arith.constant 11 : i32
      %dma_start3A_197 = arith.constant 154 : i32
      %dma_start3A_198 = arith.constant 0 : i32
      %dma_start3A_199 = tpu.memref_slice %arg8[%dma_start3A_197, %dma_start3A_198] : memref<196x14xf32, #tpu.memory_space<vmem>> -> memref<14x14xf32, #tpu.memory_space<vmem>>
      %dma_start3A_200 = arith.constant 0 : i32
      %dma_start3A_201 = arith.constant 0 : i32
      %dma_start3A_202 = tpu.memref_slice %arg3[%add3A_31, %dma_start3A_196, %dma_start3A_200, %dma_start3A_201] : memref<1024x14x14x14xf32, #tpu.memory_space<hbm>> -> memref<1x1x14x14xf32, #tpu.memory_space<hbm>>
      %dma_start3A_203 = tpu.memref_squeeze %dma_start3A_202 : memref<1x1x14x14xf32, #tpu.memory_space<hbm>> -> memref<14x14xf32, #tpu.memory_space<hbm>>
      %dma_start3A_204 = arith.constant 154 : i32
      %dma_start3A_205 = arith.constant 0 : i32
      %dma_start3A_206 = tpu.memref_slice %arg8[%dma_start3A_204, %dma_start3A_205] : memref<196x14xf32, #tpu.memory_space<vmem>> -> memref<14x14xf32, #tpu.memory_space<vmem>>
      %dma_start3A_207 = arith.constant 0 : i32
      %dma_start3A_208 = arith.constant 0 : i32
      %dma_start3A_209 = tpu.memref_slice %arg3[%add3A_31, %dma_start3A_196, %dma_start3A_207, %dma_start3A_208] : memref<1024x14x14x14xf32, #tpu.memory_space<hbm>> -> memref<1x1x14x14xf32, #tpu.memory_space<hbm>>
      %dma_start3A_210 = tpu.memref_squeeze %dma_start3A_209 : memref<1x1x14x14xf32, #tpu.memory_space<hbm>> -> memref<14x14xf32, #tpu.memory_space<hbm>>
      tpu.enqueue_dma source(%dma_start3A_210 : memref<14x14xf32, #tpu.memory_space<hbm>>) target(%dma_start3A_206 : memref<14x14xf32, #tpu.memory_space<vmem>>) target_semaphore(%arg14 : memref<!tpu.dma_semaphore, #tpu.memory_space<semaphore_mem>>)
      %dma_start3A_211 = arith.constant 12 : i32
      %dma_start3A_212 = arith.constant 168 : i32
      %dma_start3A_213 = arith.constant 0 : i32
      %dma_start3A_214 = tpu.memref_slice %arg8[%dma_start3A_212, %dma_start3A_213] : memref<196x14xf32, #tpu.memory_space<vmem>> -> memref<14x14xf32, #tpu.memory_space<vmem>>
      %dma_start3A_215 = arith.constant 0 : i32
      %dma_start3A_216 = arith.constant 0 : i32
      %dma_start3A_217 = tpu.memref_slice %arg3[%add3A_31, %dma_start3A_211, %dma_start3A_215, %dma_start3A_216] : memref<1024x14x14x14xf32, #tpu.memory_space<hbm>> -> memref<1x1x14x14xf32, #tpu.memory_space<hbm>>
      %dma_start3A_218 = tpu.memref_squeeze %dma_start3A_217 : memref<1x1x14x14xf32, #tpu.memory_space<hbm>> -> memref<14x14xf32, #tpu.memory_space<hbm>>
      %dma_start3A_219 = arith.constant 168 : i32
      %dma_start3A_220 = arith.constant 0 : i32
      %dma_start3A_221 = tpu.memref_slice %arg8[%dma_start3A_219, %dma_start3A_220] : memref<196x14xf32, #tpu.memory_space<vmem>> -> memref<14x14xf32, #tpu.memory_space<vmem>>
      %dma_start3A_222 = arith.constant 0 : i32
      %dma_start3A_223 = arith.constant 0 : i32
      %dma_start3A_224 = tpu.memref_slice %arg3[%add3A_31, %dma_start3A_211, %dma_start3A_222, %dma_start3A_223] : memref<1024x14x14x14xf32, #tpu.memory_space<hbm>> -> memref<1x1x14x14xf32, #tpu.memory_space<hbm>>
      %dma_start3A_225 = tpu.memref_squeeze %dma_start3A_224 : memref<1x1x14x14xf32, #tpu.memory_space<hbm>> -> memref<14x14xf32, #tpu.memory_space<hbm>>
      tpu.enqueue_dma source(%dma_start3A_225 : memref<14x14xf32, #tpu.memory_space<hbm>>) target(%dma_start3A_221 : memref<14x14xf32, #tpu.memory_space<vmem>>) target_semaphore(%arg14 : memref<!tpu.dma_semaphore, #tpu.memory_space<semaphore_mem>>)
      %dma_start3A_226 = arith.constant 13 : i32
      %dma_start3A_227 = arith.constant 182 : i32
      %dma_start3A_228 = arith.constant 0 : i32
      %dma_start3A_229 = tpu.memref_slice %arg8[%dma_start3A_227, %dma_start3A_228] : memref<196x14xf32, #tpu.memory_space<vmem>> -> memref<14x14xf32, #tpu.memory_space<vmem>>
      %dma_start3A_230 = arith.constant 0 : i32
      %dma_start3A_231 = arith.constant 0 : i32
      %dma_start3A_232 = tpu.memref_slice %arg3[%add3A_31, %dma_start3A_226, %dma_start3A_230, %dma_start3A_231] : memref<1024x14x14x14xf32, #tpu.memory_space<hbm>> -> memref<1x1x14x14xf32, #tpu.memory_space<hbm>>
      %dma_start3A_233 = tpu.memref_squeeze %dma_start3A_232 : memref<1x1x14x14xf32, #tpu.memory_space<hbm>> -> memref<14x14xf32, #tpu.memory_space<hbm>>
      %dma_start3A_234 = arith.constant 182 : i32
      %dma_start3A_235 = arith.constant 0 : i32
      %dma_start3A_236 = tpu.memref_slice %arg8[%dma_start3A_234, %dma_start3A_235] : memref<196x14xf32, #tpu.memory_space<vmem>> -> memref<14x14xf32, #tpu.memory_space<vmem>>
      %dma_start3A_237 = arith.constant 0 : i32
      %dma_start3A_238 = arith.constant 0 : i32
      %dma_start3A_239 = tpu.memref_slice %arg3[%add3A_31, %dma_start3A_226, %dma_start3A_237, %dma_start3A_238] : memref<1024x14x14x14xf32, #tpu.memory_space<hbm>> -> memref<1x1x14x14xf32, #tpu.memory_space<hbm>>
      %dma_start3A_240 = tpu.memref_squeeze %dma_start3A_239 : memref<1x1x14x14xf32, #tpu.memory_space<hbm>> -> memref<14x14xf32, #tpu.memory_space<hbm>>
      tpu.enqueue_dma source(%dma_start3A_240 : memref<14x14xf32, #tpu.memory_space<hbm>>) target(%dma_start3A_236 : memref<14x14xf32, #tpu.memory_space<vmem>>) target_semaphore(%arg14 : memref<!tpu.dma_semaphore, #tpu.memory_space<semaphore_mem>>)
      %add3A_241 = vector.broadcast %scan3A_27 : i32 to vector<16xi32>
      %add3A_242 = arith.addi %broadcast_in_dim3A_8, %add3A_241 : vector<16xi32>
      %mul3A_243 = arith.constant 4 : i32
      %mul3A_244 = vector.broadcast %mul3A_243 : i32 to vector<16xi32>
      %mul3A_245 = arith.muli %min3A_4, %mul3A_244 : vector<16xi32>
      %gather3A = tpu.vector_load_idx %arg10[%add3A_242, %mul3A_245] : memref<32x56xf32, #tpu.memory_space<vmem>>[vector<16xi32>, vector<16xi32>], vector<16xf32>,
      %add3A_246 = arith.constant 1 : i32
      %add3A_247 = vector.broadcast %add3A_246 : i32 to vector<16xi32>
      %add3A_248 = arith.addi %mul3A_245, %add3A_247 : vector<16xi32>
      %gather3A_249 = tpu.vector_load_idx %arg10[%add3A_242, %add3A_248] : memref<32x56xf32, #tpu.memory_space<vmem>>[vector<16xi32>, vector<16xi32>], vector<16xf32>,
      %add3A_250 = arith.constant 2 : i32
      %add3A_251 = vector.broadcast %add3A_250 : i32 to vector<16xi32>
      %add3A_252 = arith.addi %mul3A_245, %add3A_251 : vector<16xi32>
      %gather3A_253 = tpu.vector_load_idx %arg10[%add3A_242, %add3A_252] : memref<32x56xf32, #tpu.memory_space<vmem>>[vector<16xi32>, vector<16xi32>], vector<16xf32>,
      %mul3A_254 = arith.mulf %gather3A_253, %convert_element_type3A_7 : vector<16xf32>
      %add3A_255 = arith.constant 3 : i32
      %add3A_256 = vector.broadcast %add3A_255 : i32 to vector<16xi32>
      %add3A_257 = arith.addi %mul3A_245, %add3A_256 : vector<16xi32>
      %gather3A_258 = tpu.vector_load_idx %arg10[%add3A_242, %add3A_257] : memref<32x56xf32, #tpu.memory_space<vmem>>[vector<16xi32>, vector<16xi32>], vector<16xf32>,
      %mul3A_259 = arith.mulf %gather3A_258, %convert_element_type3A_7 : vector<16xf32>
      %mul3A_260 = arith.constant 1.400000e+01 : f32
      %mul3A_261 = vector.broadcast %mul3A_260 : f32 to vector<16xf32>
      %mul3A_262 = arith.mulf %gather3A, %mul3A_261 : vector<16xf32>
      %convert_element_type3A_263 = arith.fptosi %mul3A_262 : vector<16xf32> to vector<16xi32>
      %jit3A = arith.constant 0 : i32
      %jit3A_264 = arith.constant 13 : i32
      %max3A = vector.broadcast %jit3A : i32 to vector<16xi32>
      %max3A_265 = arith.maxsi %max3A, %convert_element_type3A_263 : vector<16xi32>
      %min3A_266 = vector.broadcast %jit3A_264 : i32 to vector<16xi32>
      %min3A_267 = arith.minsi %min3A_266, %max3A_265 : vector<16xi32>
      %mul3A_268 = arith.constant 1.400000e+01 : f32
      %mul3A_269 = vector.broadcast %mul3A_268 : f32 to vector<16xf32>
      %mul3A_270 = arith.mulf %gather3A_249, %mul3A_269 : vector<16xf32>
      %convert_element_type3A_271 = arith.fptosi %mul3A_270 : vector<16xf32> to vector<16xi32>
      %jit3A_272 = arith.constant 0 : i32
      %jit3A_273 = arith.constant 13 : i32
      %max3A_274 = vector.broadcast %jit3A_272 : i32 to vector<16xi32>
      %max3A_275 = arith.maxsi %max3A_274, %convert_element_type3A_271 : vector<16xi32>
      %min3A_276 = vector.broadcast %jit3A_273 : i32 to vector<16xi32>
      %min3A_277 = arith.minsi %min3A_276, %max3A_275 : vector<16xi32>
      %add3A_278 = arith.constant 0 : i32
      %add3A_279 = vector.broadcast %add3A_278 : i32 to vector<16xi32>
      %add3A_280 = arith.addi %broadcast_in_dim3A_8, %add3A_279 : vector<16xi32>
      %gather3A_281 = tpu.vector_load_idx %arg11[%min3A_267, %add3A_280] : memref<14x14xf32, #tpu.memory_space<vmem>>[vector<16xi32>, vector<16xi32>], vector<16xf32>,
      %add3A_282 = arith.constant 1 : i32
      %add3A_283 = vector.broadcast %add3A_282 : i32 to vector<16xi32>
      %add3A_284 = arith.addi %broadcast_in_dim3A_8, %add3A_283 : vector<16xi32>
      %gather3A_285 = tpu.vector_load_idx %arg11[%min3A_267, %add3A_284] : memref<14x14xf32, #tpu.memory_space<vmem>>[vector<16xi32>, vector<16xi32>], vector<16xf32>,
      %add3A_286 = arith.constant 2 : i32
      %add3A_287 = vector.broadcast %add3A_286 : i32 to vector<16xi32>
      %add3A_288 = arith.addi %broadcast_in_dim3A_8, %add3A_287 : vector<16xi32>
      %gather3A_289 = tpu.vector_load_idx %arg11[%min3A_267, %add3A_288] : memref<14x14xf32, #tpu.memory_space<vmem>>[vector<16xi32>, vector<16xi32>], vector<16xf32>,
      %add3A_290 = arith.constant 3 : i32
      %add3A_291 = vector.broadcast %add3A_290 : i32 to vector<16xi32>
      %add3A_292 = arith.addi %broadcast_in_dim3A_8, %add3A_291 : vector<16xi32>
      %gather3A_293 = tpu.vector_load_idx %arg11[%min3A_267, %add3A_292] : memref<14x14xf32, #tpu.memory_space<vmem>>[vector<16xi32>, vector<16xi32>], vector<16xf32>,
      %add3A_294 = arith.constant 4 : i32
      %add3A_295 = vector.broadcast %add3A_294 : i32 to vector<16xi32>
      %add3A_296 = arith.addi %broadcast_in_dim3A_8, %add3A_295 : vector<16xi32>
      %gather3A_297 = tpu.vector_load_idx %arg11[%min3A_267, %add3A_296] : memref<14x14xf32, #tpu.memory_space<vmem>>[vector<16xi32>, vector<16xi32>], vector<16xf32>,
      %add3A_298 = arith.constant 5 : i32
      %add3A_299 = vector.broadcast %add3A_298 : i32 to vector<16xi32>
      %add3A_300 = arith.addi %broadcast_in_dim3A_8, %add3A_299 : vector<16xi32>
      %gather3A_301 = tpu.vector_load_idx %arg11[%min3A_267, %add3A_300] : memref<14x14xf32, #tpu.memory_space<vmem>>[vector<16xi32>, vector<16xi32>], vector<16xf32>,
      %add3A_302 = arith.constant 6 : i32
      %add3A_303 = vector.broadcast %add3A_302 : i32 to vector<16xi32>
      %add3A_304 = arith.addi %broadcast_in_dim3A_8, %add3A_303 : vector<16xi32>
      %gather3A_305 = tpu.vector_load_idx %arg11[%min3A_267, %add3A_304] : memref<14x14xf32, #tpu.memory_space<vmem>>[vector<16xi32>, vector<16xi32>], vector<16xf32>,
      %add3A_306 = arith.constant 7 : i32
      %add3A_307 = vector.broadcast %add3A_306 : i32 to vector<16xi32>
      %add3A_308 = arith.addi %broadcast_in_dim3A_8, %add3A_307 : vector<16xi32>
      %gather3A_309 = tpu.vector_load_idx %arg11[%min3A_267, %add3A_308] : memref<14x14xf32, #tpu.memory_space<vmem>>[vector<16xi32>, vector<16xi32>], vector<16xf32>,
      %add3A_310 = arith.constant 8 : i32
      %add3A_311 = vector.broadcast %add3A_310 : i32 to vector<16xi32>
      %add3A_312 = arith.addi %broadcast_in_dim3A_8, %add3A_311 : vector<16xi32>
      %gather3A_313 = tpu.vector_load_idx %arg11[%min3A_267, %add3A_312] : memref<14x14xf32, #tpu.memory_space<vmem>>[vector<16xi32>, vector<16xi32>], vector<16xf32>,
      %add3A_314 = arith.constant 9 : i32
      %add3A_315 = vector.broadcast %add3A_314 : i32 to vector<16xi32>
      %add3A_316 = arith.addi %broadcast_in_dim3A_8, %add3A_315 : vector<16xi32>
      %gather3A_317 = tpu.vector_load_idx %arg11[%min3A_267, %add3A_316] : memref<14x14xf32, #tpu.memory_space<vmem>>[vector<16xi32>, vector<16xi32>], vector<16xf32>,
      %add3A_318 = arith.constant 10 : i32
      %add3A_319 = vector.broadcast %add3A_318 : i32 to vector<16xi32>
      %add3A_320 = arith.addi %broadcast_in_dim3A_8, %add3A_319 : vector<16xi32>
      %gather3A_321 = tpu.vector_load_idx %arg11[%min3A_267, %add3A_320] : memref<14x14xf32, #tpu.memory_space<vmem>>[vector<16xi32>, vector<16xi32>], vector<16xf32>,
      %add3A_322 = arith.constant 11 : i32
      %add3A_323 = vector.broadcast %add3A_322 : i32 to vector<16xi32>
      %add3A_324 = arith.addi %broadcast_in_dim3A_8, %add3A_323 : vector<16xi32>
      %gather3A_325 = tpu.vector_load_idx %arg11[%min3A_267, %add3A_324] : memref<14x14xf32, #tpu.memory_space<vmem>>[vector<16xi32>, vector<16xi32>], vector<16xf32>,
      %add3A_326 = arith.constant 12 : i32
      %add3A_327 = vector.broadcast %add3A_326 : i32 to vector<16xi32>
      %add3A_328 = arith.addi %broadcast_in_dim3A_8, %add3A_327 : vector<16xi32>
      %gather3A_329 = tpu.vector_load_idx %arg11[%min3A_267, %add3A_328] : memref<14x14xf32, #tpu.memory_space<vmem>>[vector<16xi32>, vector<16xi32>], vector<16xf32>,
      %add3A_330 = arith.constant 13 : i32
      %add3A_331 = vector.broadcast %add3A_330 : i32 to vector<16xi32>
      %add3A_332 = arith.addi %broadcast_in_dim3A_8, %add3A_331 : vector<16xi32>
      %gather3A_333 = tpu.vector_load_idx %arg11[%min3A_267, %add3A_332] : memref<14x14xf32, #tpu.memory_space<vmem>>[vector<16xi32>, vector<16xi32>], vector<16xf32>,
      %dma_wait3A = arith.constant 0 : i32
      %dma_wait3A_334 = arith.constant 0 : i32
      %dma_wait3A_335 = arith.constant 0 : i32
      %dma_wait3A_336 = tpu.memref_slice %arg8[%dma_wait3A_334, %dma_wait3A_335] : memref<196x14xf32, #tpu.memory_space<vmem>> -> memref<14x14xf32, #tpu.memory_space<vmem>>
      %dma_wait3A_337 = arith.constant 0 : i32
      %dma_wait3A_338 = arith.constant 0 : i32
      %dma_wait3A_339 = tpu.memref_slice %arg3[%add3A_31, %dma_wait3A, %dma_wait3A_337, %dma_wait3A_338] : memref<1024x14x14x14xf32, #tpu.memory_space<hbm>> -> memref<1x1x14x14xf32, #tpu.memory_space<hbm>>
      %dma_wait3A_340 = tpu.memref_squeeze %dma_wait3A_339 : memref<1x1x14x14xf32, #tpu.memory_space<hbm>> -> memref<14x14xf32, #tpu.memory_space<hbm>>
      %dma_wait3A_341 = arith.constant 0 : i32
      %dma_wait3A_342 = arith.constant 0 : i32
      %dma_wait3A_343 = tpu.memref_slice %arg8[%dma_wait3A_341, %dma_wait3A_342] : memref<196x14xf32, #tpu.memory_space<vmem>> -> memref<14x14xf32, #tpu.memory_space<vmem>>
      %dma_wait3A_344 = arith.constant 0 : i32
      %dma_wait3A_345 = arith.constant 0 : i32
      %dma_wait3A_346 = tpu.memref_slice %arg3[%add3A_31, %dma_wait3A, %dma_wait3A_344, %dma_wait3A_345] : memref<1024x14x14x14xf32, #tpu.memory_space<hbm>> -> memref<1x1x14x14xf32, #tpu.memory_space<hbm>>
      %dma_wait3A_347 = tpu.memref_squeeze %dma_wait3A_346 : memref<1x1x14x14xf32, #tpu.memory_space<hbm>> -> memref<14x14xf32, #tpu.memory_space<hbm>>
      tpu.wait_dma2 semaphore(%arg14 : memref<!tpu.dma_semaphore, #tpu.memory_space<semaphore_mem>>) src(%dma_wait3A_347 : memref<14x14xf32, #tpu.memory_space<hbm>>) dst(%dma_wait3A_343 : memref<14x14xf32, #tpu.memory_space<vmem>>)
      %dma_wait3A_348 = arith.constant 1 : i32
      %dma_wait3A_349 = arith.constant 14 : i32
      %dma_wait3A_350 = arith.constant 0 : i32
      %dma_wait3A_351 = tpu.memref_slice %arg8[%dma_wait3A_349, %dma_wait3A_350] : memref<196x14xf32, #tpu.memory_space<vmem>> -> memref<14x14xf32, #tpu.memory_space<vmem>>
      %dma_wait3A_352 = arith.constant 0 : i32
      %dma_wait3A_353 = arith.constant 0 : i32
      %dma_wait3A_354 = tpu.memref_slice %arg3[%add3A_31, %dma_wait3A_348, %dma_wait3A_352, %dma_wait3A_353] : memref<1024x14x14x14xf32, #tpu.memory_space<hbm>> -> memref<1x1x14x14xf32, #tpu.memory_space<hbm>>
      %dma_wait3A_355 = tpu.memref_squeeze %dma_wait3A_354 : memref<1x1x14x14xf32, #tpu.memory_space<hbm>> -> memref<14x14xf32, #tpu.memory_space<hbm>>
      %dma_wait3A_356 = arith.constant 14 : i32
      %dma_wait3A_357 = arith.constant 0 : i32
      %dma_wait3A_358 = tpu.memref_slice %arg8[%dma_wait3A_356, %dma_wait3A_357] : memref<196x14xf32, #tpu.memory_space<vmem>> -> memref<14x14xf32, #tpu.memory_space<vmem>>
      %dma_wait3A_359 = arith.constant 0 : i32
      %dma_wait3A_360 = arith.constant 0 : i32
      %dma_wait3A_361 = tpu.memref_slice %arg3[%add3A_31, %dma_wait3A_348, %dma_wait3A_359, %dma_wait3A_360] : memref<1024x14x14x14xf32, #tpu.memory_space<hbm>> -> memref<1x1x14x14xf32, #tpu.memory_space<hbm>>
      %dma_wait3A_362 = tpu.memref_squeeze %dma_wait3A_361 : memref<1x1x14x14xf32, #tpu.memory_space<hbm>> -> memref<14x14xf32, #tpu.memory_space<hbm>>
      tpu.wait_dma2 semaphore(%arg14 : memref<!tpu.dma_semaphore, #tpu.memory_space<semaphore_mem>>) src(%dma_wait3A_362 : memref<14x14xf32, #tpu.memory_space<hbm>>) dst(%dma_wait3A_358 : memref<14x14xf32, #tpu.memory_space<vmem>>)
      %dma_wait3A_363 = arith.constant 2 : i32
      %dma_wait3A_364 = arith.constant 28 : i32
      %dma_wait3A_365 = arith.constant 0 : i32
      %dma_wait3A_366 = tpu.memref_slice %arg8[%dma_wait3A_364, %dma_wait3A_365] : memref<196x14xf32, #tpu.memory_space<vmem>> -> memref<14x14xf32, #tpu.memory_space<vmem>>
      %dma_wait3A_367 = arith.constant 0 : i32
      %dma_wait3A_368 = arith.constant 0 : i32
      %dma_wait3A_369 = tpu.memref_slice %arg3[%add3A_31, %dma_wait3A_363, %dma_wait3A_367, %dma_wait3A_368] : memref<1024x14x14x14xf32, #tpu.memory_space<hbm>> -> memref<1x1x14x14xf32, #tpu.memory_space<hbm>>
      %dma_wait3A_370 = tpu.memref_squeeze %dma_wait3A_369 : memref<1x1x14x14xf32, #tpu.memory_space<hbm>> -> memref<14x14xf32, #tpu.memory_space<hbm>>
      %dma_wait3A_371 = arith.constant 28 : i32
      %dma_wait3A_372 = arith.constant 0 : i32
      %dma_wait3A_373 = tpu.memref_slice %arg8[%dma_wait3A_371, %dma_wait3A_372] : memref<196x14xf32, #tpu.memory_space<vmem>> -> memref<14x14xf32, #tpu.memory_space<vmem>>
      %dma_wait3A_374 = arith.constant 0 : i32
      %dma_wait3A_375 = arith.constant 0 : i32
      %dma_wait3A_376 = tpu.memref_slice %arg3[%add3A_31, %dma_wait3A_363, %dma_wait3A_374, %dma_wait3A_375] : memref<1024x14x14x14xf32, #tpu.memory_space<hbm>> -> memref<1x1x14x14xf32, #tpu.memory_space<hbm>>
      %dma_wait3A_377 = tpu.memref_squeeze %dma_wait3A_376 : memref<1x1x14x14xf32, #tpu.memory_space<hbm>> -> memref<14x14xf32, #tpu.memory_space<hbm>>
      tpu.wait_dma2 semaphore(%arg14 : memref<!tpu.dma_semaphore, #tpu.memory_space<semaphore_mem>>) src(%dma_wait3A_377 : memref<14x14xf32, #tpu.memory_space<hbm>>) dst(%dma_wait3A_373 : memref<14x14xf32, #tpu.memory_space<vmem>>)
      %dma_wait3A_378 = arith.constant 3 : i32
      %dma_wait3A_379 = arith.constant 42 : i32
      %dma_wait3A_380 = arith.constant 0 : i32
      %dma_wait3A_381 = tpu.memref_slice %arg8[%dma_wait3A_379, %dma_wait3A_380] : memref<196x14xf32, #tpu.memory_space<vmem>> -> memref<14x14xf32, #tpu.memory_space<vmem>>
      %dma_wait3A_382 = arith.constant 0 : i32
      %dma_wait3A_383 = arith.constant 0 : i32
      %dma_wait3A_384 = tpu.memref_slice %arg3[%add3A_31, %dma_wait3A_378, %dma_wait3A_382, %dma_wait3A_383] : memref<1024x14x14x14xf32, #tpu.memory_space<hbm>> -> memref<1x1x14x14xf32, #tpu.memory_space<hbm>>
      %dma_wait3A_385 = tpu.memref_squeeze %dma_wait3A_384 : memref<1x1x14x14xf32, #tpu.memory_space<hbm>> -> memref<14x14xf32, #tpu.memory_space<hbm>>
      %dma_wait3A_386 = arith.constant 42 : i32
      %dma_wait3A_387 = arith.constant 0 : i32
      %dma_wait3A_388 = tpu.memref_slice %arg8[%dma_wait3A_386, %dma_wait3A_387] : memref<196x14xf32, #tpu.memory_space<vmem>> -> memref<14x14xf32, #tpu.memory_space<vmem>>
      %dma_wait3A_389 = arith.constant 0 : i32
      %dma_wait3A_390 = arith.constant 0 : i32
      %dma_wait3A_391 = tpu.memref_slice %arg3[%add3A_31, %dma_wait3A_378, %dma_wait3A_389, %dma_wait3A_390] : memref<1024x14x14x14xf32, #tpu.memory_space<hbm>> -> memref<1x1x14x14xf32, #tpu.memory_space<hbm>>
      %dma_wait3A_392 = tpu.memref_squeeze %dma_wait3A_391 : memref<1x1x14x14xf32, #tpu.memory_space<hbm>> -> memref<14x14xf32, #tpu.memory_space<hbm>>
      tpu.wait_dma2 semaphore(%arg14 : memref<!tpu.dma_semaphore, #tpu.memory_space<semaphore_mem>>) src(%dma_wait3A_392 : memref<14x14xf32, #tpu.memory_space<hbm>>) dst(%dma_wait3A_388 : memref<14x14xf32, #tpu.memory_space<vmem>>)
      %dma_wait3A_393 = arith.constant 4 : i32
      %dma_wait3A_394 = arith.constant 56 : i32
      %dma_wait3A_395 = arith.constant 0 : i32
      %dma_wait3A_396 = tpu.memref_slice %arg8[%dma_wait3A_394, %dma_wait3A_395] : memref<196x14xf32, #tpu.memory_space<vmem>> -> memref<14x14xf32, #tpu.memory_space<vmem>>
      %dma_wait3A_397 = arith.constant 0 : i32
      %dma_wait3A_398 = arith.constant 0 : i32
      %dma_wait3A_399 = tpu.memref_slice %arg3[%add3A_31, %dma_wait3A_393, %dma_wait3A_397, %dma_wait3A_398] : memref<1024x14x14x14xf32, #tpu.memory_space<hbm>> -> memref<1x1x14x14xf32, #tpu.memory_space<hbm>>
      %dma_wait3A_400 = tpu.memref_squeeze %dma_wait3A_399 : memref<1x1x14x14xf32, #tpu.memory_space<hbm>> -> memref<14x14xf32, #tpu.memory_space<hbm>>
      %dma_wait3A_401 = arith.constant 56 : i32
      %dma_wait3A_402 = arith.constant 0 : i32
      %dma_wait3A_403 = tpu.memref_slice %arg8[%dma_wait3A_401, %dma_wait3A_402] : memref<196x14xf32, #tpu.memory_space<vmem>> -> memref<14x14xf32, #tpu.memory_space<vmem>>
      %dma_wait3A_404 = arith.constant 0 : i32
      %dma_wait3A_405 = arith.constant 0 : i32
      %dma_wait3A_406 = tpu.memref_slice %arg3[%add3A_31, %dma_wait3A_393, %dma_wait3A_404, %dma_wait3A_405] : memref<1024x14x14x14xf32, #tpu.memory_space<hbm>> -> memref<1x1x14x14xf32, #tpu.memory_space<hbm>>
      %dma_wait3A_407 = tpu.memref_squeeze %dma_wait3A_406 : memref<1x1x14x14xf32, #tpu.memory_space<hbm>> -> memref<14x14xf32, #tpu.memory_space<hbm>>
      tpu.wait_dma2 semaphore(%arg14 : memref<!tpu.dma_semaphore, #tpu.memory_space<semaphore_mem>>) src(%dma_wait3A_407 : memref<14x14xf32, #tpu.memory_space<hbm>>) dst(%dma_wait3A_403 : memref<14x14xf32, #tpu.memory_space<vmem>>)
      %dma_wait3A_408 = arith.constant 5 : i32
      %dma_wait3A_409 = arith.constant 70 : i32
      %dma_wait3A_410 = arith.constant 0 : i32
      %dma_wait3A_411 = tpu.memref_slice %arg8[%dma_wait3A_409, %dma_wait3A_410] : memref<196x14xf32, #tpu.memory_space<vmem>> -> memref<14x14xf32, #tpu.memory_space<vmem>>
      %dma_wait3A_412 = arith.constant 0 : i32
      %dma_wait3A_413 = arith.constant 0 : i32
      %dma_wait3A_414 = tpu.memref_slice %arg3[%add3A_31, %dma_wait3A_408, %dma_wait3A_412, %dma_wait3A_413] : memref<1024x14x14x14xf32, #tpu.memory_space<hbm>> -> memref<1x1x14x14xf32, #tpu.memory_space<hbm>>
      %dma_wait3A_415 = tpu.memref_squeeze %dma_wait3A_414 : memref<1x1x14x14xf32, #tpu.memory_space<hbm>> -> memref<14x14xf32, #tpu.memory_space<hbm>>
      %dma_wait3A_416 = arith.constant 70 : i32
      %dma_wait3A_417 = arith.constant 0 : i32
      %dma_wait3A_418 = tpu.memref_slice %arg8[%dma_wait3A_416, %dma_wait3A_417] : memref<196x14xf32, #tpu.memory_space<vmem>> -> memref<14x14xf32, #tpu.memory_space<vmem>>
      %dma_wait3A_419 = arith.constant 0 : i32
      %dma_wait3A_420 = arith.constant 0 : i32
      %dma_wait3A_421 = tpu.memref_slice %arg3[%add3A_31, %dma_wait3A_408, %dma_wait3A_419, %dma_wait3A_420] : memref<1024x14x14x14xf32, #tpu.memory_space<hbm>> -> memref<1x1x14x14xf32, #tpu.memory_space<hbm>>
      %dma_wait3A_422 = tpu.memref_squeeze %dma_wait3A_421 : memref<1x1x14x14xf32, #tpu.memory_space<hbm>> -> memref<14x14xf32, #tpu.memory_space<hbm>>
      tpu.wait_dma2 semaphore(%arg14 : memref<!tpu.dma_semaphore, #tpu.memory_space<semaphore_mem>>) src(%dma_wait3A_422 : memref<14x14xf32, #tpu.memory_space<hbm>>) dst(%dma_wait3A_418 : memref<14x14xf32, #tpu.memory_space<vmem>>)
      %dma_wait3A_423 = arith.constant 6 : i32
      %dma_wait3A_424 = arith.constant 84 : i32
      %dma_wait3A_425 = arith.constant 0 : i32
      %dma_wait3A_426 = tpu.memref_slice %arg8[%dma_wait3A_424, %dma_wait3A_425] : memref<196x14xf32, #tpu.memory_space<vmem>> -> memref<14x14xf32, #tpu.memory_space<vmem>>
      %dma_wait3A_427 = arith.constant 0 : i32
      %dma_wait3A_428 = arith.constant 0 : i32
      %dma_wait3A_429 = tpu.memref_slice %arg3[%add3A_31, %dma_wait3A_423, %dma_wait3A_427, %dma_wait3A_428] : memref<1024x14x14x14xf32, #tpu.memory_space<hbm>> -> memref<1x1x14x14xf32, #tpu.memory_space<hbm>>
      %dma_wait3A_430 = tpu.memref_squeeze %dma_wait3A_429 : memref<1x1x14x14xf32, #tpu.memory_space<hbm>> -> memref<14x14xf32, #tpu.memory_space<hbm>>
      %dma_wait3A_431 = arith.constant 84 : i32
      %dma_wait3A_432 = arith.constant 0 : i32
      %dma_wait3A_433 = tpu.memref_slice %arg8[%dma_wait3A_431, %dma_wait3A_432] : memref<196x14xf32, #tpu.memory_space<vmem>> -> memref<14x14xf32, #tpu.memory_space<vmem>>
      %dma_wait3A_434 = arith.constant 0 : i32
      %dma_wait3A_435 = arith.constant 0 : i32
      %dma_wait3A_436 = tpu.memref_slice %arg3[%add3A_31, %dma_wait3A_423, %dma_wait3A_434, %dma_wait3A_435] : memref<1024x14x14x14xf32, #tpu.memory_space<hbm>> -> memref<1x1x14x14xf32, #tpu.memory_space<hbm>>
      %dma_wait3A_437 = tpu.memref_squeeze %dma_wait3A_436 : memref<1x1x14x14xf32, #tpu.memory_space<hbm>> -> memref<14x14xf32, #tpu.memory_space<hbm>>
      tpu.wait_dma2 semaphore(%arg14 : memref<!tpu.dma_semaphore, #tpu.memory_space<semaphore_mem>>) src(%dma_wait3A_437 : memref<14x14xf32, #tpu.memory_space<hbm>>) dst(%dma_wait3A_433 : memref<14x14xf32, #tpu.memory_space<vmem>>)
      %dma_wait3A_438 = arith.constant 7 : i32
      %dma_wait3A_439 = arith.constant 98 : i32
      %dma_wait3A_440 = arith.constant 0 : i32
      %dma_wait3A_441 = tpu.memref_slice %arg8[%dma_wait3A_439, %dma_wait3A_440] : memref<196x14xf32, #tpu.memory_space<vmem>> -> memref<14x14xf32, #tpu.memory_space<vmem>>
      %dma_wait3A_442 = arith.constant 0 : i32
      %dma_wait3A_443 = arith.constant 0 : i32
      %dma_wait3A_444 = tpu.memref_slice %arg3[%add3A_31, %dma_wait3A_438, %dma_wait3A_442, %dma_wait3A_443] : memref<1024x14x14x14xf32, #tpu.memory_space<hbm>> -> memref<1x1x14x14xf32, #tpu.memory_space<hbm>>
      %dma_wait3A_445 = tpu.memref_squeeze %dma_wait3A_444 : memref<1x1x14x14xf32, #tpu.memory_space<hbm>> -> memref<14x14xf32, #tpu.memory_space<hbm>>
      %dma_wait3A_446 = arith.constant 98 : i32
      %dma_wait3A_447 = arith.constant 0 : i32
      %dma_wait3A_448 = tpu.memref_slice %arg8[%dma_wait3A_446, %dma_wait3A_447] : memref<196x14xf32, #tpu.memory_space<vmem>> -> memref<14x14xf32, #tpu.memory_space<vmem>>
      %dma_wait3A_449 = arith.constant 0 : i32
      %dma_wait3A_450 = arith.constant 0 : i32
      %dma_wait3A_451 = tpu.memref_slice %arg3[%add3A_31, %dma_wait3A_438, %dma_wait3A_449, %dma_wait3A_450] : memref<1024x14x14x14xf32, #tpu.memory_space<hbm>> -> memref<1x1x14x14xf32, #tpu.memory_space<hbm>>
      %dma_wait3A_452 = tpu.memref_squeeze %dma_wait3A_451 : memref<1x1x14x14xf32, #tpu.memory_space<hbm>> -> memref<14x14xf32, #tpu.memory_space<hbm>>
      tpu.wait_dma2 semaphore(%arg14 : memref<!tpu.dma_semaphore, #tpu.memory_space<semaphore_mem>>) src(%dma_wait3A_452 : memref<14x14xf32, #tpu.memory_space<hbm>>) dst(%dma_wait3A_448 : memref<14x14xf32, #tpu.memory_space<vmem>>)
      %dma_wait3A_453 = arith.constant 8 : i32
      %dma_wait3A_454 = arith.constant 112 : i32
      %dma_wait3A_455 = arith.constant 0 : i32
      %dma_wait3A_456 = tpu.memref_slice %arg8[%dma_wait3A_454, %dma_wait3A_455] : memref<196x14xf32, #tpu.memory_space<vmem>> -> memref<14x14xf32, #tpu.memory_space<vmem>>
      %dma_wait3A_457 = arith.constant 0 : i32
      %dma_wait3A_458 = arith.constant 0 : i32
      %dma_wait3A_459 = tpu.memref_slice %arg3[%add3A_31, %dma_wait3A_453, %dma_wait3A_457, %dma_wait3A_458] : memref<1024x14x14x14xf32, #tpu.memory_space<hbm>> -> memref<1x1x14x14xf32, #tpu.memory_space<hbm>>
      %dma_wait3A_460 = tpu.memref_squeeze %dma_wait3A_459 : memref<1x1x14x14xf32, #tpu.memory_space<hbm>> -> memref<14x14xf32, #tpu.memory_space<hbm>>
      %dma_wait3A_461 = arith.constant 112 : i32
      %dma_wait3A_462 = arith.constant 0 : i32
      %dma_wait3A_463 = tpu.memref_slice %arg8[%dma_wait3A_461, %dma_wait3A_462] : memref<196x14xf32, #tpu.memory_space<vmem>> -> memref<14x14xf32, #tpu.memory_space<vmem>>
      %dma_wait3A_464 = arith.constant 0 : i32
      %dma_wait3A_465 = arith.constant 0 : i32
      %dma_wait3A_466 = tpu.memref_slice %arg3[%add3A_31, %dma_wait3A_453, %dma_wait3A_464, %dma_wait3A_465] : memref<1024x14x14x14xf32, #tpu.memory_space<hbm>> -> memref<1x1x14x14xf32, #tpu.memory_space<hbm>>
      %dma_wait3A_467 = tpu.memref_squeeze %dma_wait3A_466 : memref<1x1x14x14xf32, #tpu.memory_space<hbm>> -> memref<14x14xf32, #tpu.memory_space<hbm>>
      tpu.wait_dma2 semaphore(%arg14 : memref<!tpu.dma_semaphore, #tpu.memory_space<semaphore_mem>>) src(%dma_wait3A_467 : memref<14x14xf32, #tpu.memory_space<hbm>>) dst(%dma_wait3A_463 : memref<14x14xf32, #tpu.memory_space<vmem>>)
      %dma_wait3A_468 = arith.constant 9 : i32
      %dma_wait3A_469 = arith.constant 126 : i32
      %dma_wait3A_470 = arith.constant 0 : i32
      %dma_wait3A_471 = tpu.memref_slice %arg8[%dma_wait3A_469, %dma_wait3A_470] : memref<196x14xf32, #tpu.memory_space<vmem>> -> memref<14x14xf32, #tpu.memory_space<vmem>>
      %dma_wait3A_472 = arith.constant 0 : i32
      %dma_wait3A_473 = arith.constant 0 : i32
      %dma_wait3A_474 = tpu.memref_slice %arg3[%add3A_31, %dma_wait3A_468, %dma_wait3A_472, %dma_wait3A_473] : memref<1024x14x14x14xf32, #tpu.memory_space<hbm>> -> memref<1x1x14x14xf32, #tpu.memory_space<hbm>>
      %dma_wait3A_475 = tpu.memref_squeeze %dma_wait3A_474 : memref<1x1x14x14xf32, #tpu.memory_space<hbm>> -> memref<14x14xf32, #tpu.memory_space<hbm>>
      %dma_wait3A_476 = arith.constant 126 : i32
      %dma_wait3A_477 = arith.constant 0 : i32
      %dma_wait3A_478 = tpu.memref_slice %arg8[%dma_wait3A_476, %dma_wait3A_477] : memref<196x14xf32, #tpu.memory_space<vmem>> -> memref<14x14xf32, #tpu.memory_space<vmem>>
      %dma_wait3A_479 = arith.constant 0 : i32
      %dma_wait3A_480 = arith.constant 0 : i32
      %dma_wait3A_481 = tpu.memref_slice %arg3[%add3A_31, %dma_wait3A_468, %dma_wait3A_479, %dma_wait3A_480] : memref<1024x14x14x14xf32, #tpu.memory_space<hbm>> -> memref<1x1x14x14xf32, #tpu.memory_space<hbm>>
      %dma_wait3A_482 = tpu.memref_squeeze %dma_wait3A_481 : memref<1x1x14x14xf32, #tpu.memory_space<hbm>> -> memref<14x14xf32, #tpu.memory_space<hbm>>
      tpu.wait_dma2 semaphore(%arg14 : memref<!tpu.dma_semaphore, #tpu.memory_space<semaphore_mem>>) src(%dma_wait3A_482 : memref<14x14xf32, #tpu.memory_space<hbm>>) dst(%dma_wait3A_478 : memref<14x14xf32, #tpu.memory_space<vmem>>)
      %dma_wait3A_483 = arith.constant 10 : i32
      %dma_wait3A_484 = arith.constant 140 : i32
      %dma_wait3A_485 = arith.constant 0 : i32
      %dma_wait3A_486 = tpu.memref_slice %arg8[%dma_wait3A_484, %dma_wait3A_485] : memref<196x14xf32, #tpu.memory_space<vmem>> -> memref<14x14xf32, #tpu.memory_space<vmem>>
      %dma_wait3A_487 = arith.constant 0 : i32
      %dma_wait3A_488 = arith.constant 0 : i32
      %dma_wait3A_489 = tpu.memref_slice %arg3[%add3A_31, %dma_wait3A_483, %dma_wait3A_487, %dma_wait3A_488] : memref<1024x14x14x14xf32, #tpu.memory_space<hbm>> -> memref<1x1x14x14xf32, #tpu.memory_space<hbm>>
      %dma_wait3A_490 = tpu.memref_squeeze %dma_wait3A_489 : memref<1x1x14x14xf32, #tpu.memory_space<hbm>> -> memref<14x14xf32, #tpu.memory_space<hbm>>
      %dma_wait3A_491 = arith.constant 140 : i32
      %dma_wait3A_492 = arith.constant 0 : i32
      %dma_wait3A_493 = tpu.memref_slice %arg8[%dma_wait3A_491, %dma_wait3A_492] : memref<196x14xf32, #tpu.memory_space<vmem>> -> memref<14x14xf32, #tpu.memory_space<vmem>>
      %dma_wait3A_494 = arith.constant 0 : i32
      %dma_wait3A_495 = arith.constant 0 : i32
      %dma_wait3A_496 = tpu.memref_slice %arg3[%add3A_31, %dma_wait3A_483, %dma_wait3A_494, %dma_wait3A_495] : memref<1024x14x14x14xf32, #tpu.memory_space<hbm>> -> memref<1x1x14x14xf32, #tpu.memory_space<hbm>>
      %dma_wait3A_497 = tpu.memref_squeeze %dma_wait3A_496 : memref<1x1x14x14xf32, #tpu.memory_space<hbm>> -> memref<14x14xf32, #tpu.memory_space<hbm>>
      tpu.wait_dma2 semaphore(%arg14 : memref<!tpu.dma_semaphore, #tpu.memory_space<semaphore_mem>>) src(%dma_wait3A_497 : memref<14x14xf32, #tpu.memory_space<hbm>>) dst(%dma_wait3A_493 : memref<14x14xf32, #tpu.memory_space<vmem>>)
      %dma_wait3A_498 = arith.constant 11 : i32
      %dma_wait3A_499 = arith.constant 154 : i32
      %dma_wait3A_500 = arith.constant 0 : i32
      %dma_wait3A_501 = tpu.memref_slice %arg8[%dma_wait3A_499, %dma_wait3A_500] : memref<196x14xf32, #tpu.memory_space<vmem>> -> memref<14x14xf32, #tpu.memory_space<vmem>>
      %dma_wait3A_502 = arith.constant 0 : i32
      %dma_wait3A_503 = arith.constant 0 : i32
      %dma_wait3A_504 = tpu.memref_slice %arg3[%add3A_31, %dma_wait3A_498, %dma_wait3A_502, %dma_wait3A_503] : memref<1024x14x14x14xf32, #tpu.memory_space<hbm>> -> memref<1x1x14x14xf32, #tpu.memory_space<hbm>>
      %dma_wait3A_505 = tpu.memref_squeeze %dma_wait3A_504 : memref<1x1x14x14xf32, #tpu.memory_space<hbm>> -> memref<14x14xf32, #tpu.memory_space<hbm>>
      %dma_wait3A_506 = arith.constant 154 : i32
      %dma_wait3A_507 = arith.constant 0 : i32
      %dma_wait3A_508 = tpu.memref_slice %arg8[%dma_wait3A_506, %dma_wait3A_507] : memref<196x14xf32, #tpu.memory_space<vmem>> -> memref<14x14xf32, #tpu.memory_space<vmem>>
      %dma_wait3A_509 = arith.constant 0 : i32
      %dma_wait3A_510 = arith.constant 0 : i32
      %dma_wait3A_511 = tpu.memref_slice %arg3[%add3A_31, %dma_wait3A_498, %dma_wait3A_509, %dma_wait3A_510] : memref<1024x14x14x14xf32, #tpu.memory_space<hbm>> -> memref<1x1x14x14xf32, #tpu.memory_space<hbm>>
      %dma_wait3A_512 = tpu.memref_squeeze %dma_wait3A_511 : memref<1x1x14x14xf32, #tpu.memory_space<hbm>> -> memref<14x14xf32, #tpu.memory_space<hbm>>
      tpu.wait_dma2 semaphore(%arg14 : memref<!tpu.dma_semaphore, #tpu.memory_space<semaphore_mem>>) src(%dma_wait3A_512 : memref<14x14xf32, #tpu.memory_space<hbm>>) dst(%dma_wait3A_508 : memref<14x14xf32, #tpu.memory_space<vmem>>)
      %dma_wait3A_513 = arith.constant 12 : i32
      %dma_wait3A_514 = arith.constant 168 : i32
      %dma_wait3A_515 = arith.constant 0 : i32
      %dma_wait3A_516 = tpu.memref_slice %arg8[%dma_wait3A_514, %dma_wait3A_515] : memref<196x14xf32, #tpu.memory_space<vmem>> -> memref<14x14xf32, #tpu.memory_space<vmem>>
      %dma_wait3A_517 = arith.constant 0 : i32
      %dma_wait3A_518 = arith.constant 0 : i32
      %dma_wait3A_519 = tpu.memref_slice %arg3[%add3A_31, %dma_wait3A_513, %dma_wait3A_517, %dma_wait3A_518] : memref<1024x14x14x14xf32, #tpu.memory_space<hbm>> -> memref<1x1x14x14xf32, #tpu.memory_space<hbm>>
      %dma_wait3A_520 = tpu.memref_squeeze %dma_wait3A_519 : memref<1x1x14x14xf32, #tpu.memory_space<hbm>> -> memref<14x14xf32, #tpu.memory_space<hbm>>
      %dma_wait3A_521 = arith.constant 168 : i32
      %dma_wait3A_522 = arith.constant 0 : i32
      %dma_wait3A_523 = tpu.memref_slice %arg8[%dma_wait3A_521, %dma_wait3A_522] : memref<196x14xf32, #tpu.memory_space<vmem>> -> memref<14x14xf32, #tpu.memory_space<vmem>>
      %dma_wait3A_524 = arith.constant 0 : i32
      %dma_wait3A_525 = arith.constant 0 : i32
      %dma_wait3A_526 = tpu.memref_slice %arg3[%add3A_31, %dma_wait3A_513, %dma_wait3A_524, %dma_wait3A_525] : memref<1024x14x14x14xf32, #tpu.memory_space<hbm>> -> memref<1x1x14x14xf32, #tpu.memory_space<hbm>>
      %dma_wait3A_527 = tpu.memref_squeeze %dma_wait3A_526 : memref<1x1x14x14xf32, #tpu.memory_space<hbm>> -> memref<14x14xf32, #tpu.memory_space<hbm>>
      tpu.wait_dma2 semaphore(%arg14 : memref<!tpu.dma_semaphore, #tpu.memory_space<semaphore_mem>>) src(%dma_wait3A_527 : memref<14x14xf32, #tpu.memory_space<hbm>>) dst(%dma_wait3A_523 : memref<14x14xf32, #tpu.memory_space<vmem>>)
      %dma_wait3A_528 = arith.constant 13 : i32
      %dma_wait3A_529 = arith.constant 182 : i32
      %dma_wait3A_530 = arith.constant 0 : i32
      %dma_wait3A_531 = tpu.memref_slice %arg8[%dma_wait3A_529, %dma_wait3A_530] : memref<196x14xf32, #tpu.memory_space<vmem>> -> memref<14x14xf32, #tpu.memory_space<vmem>>
      %dma_wait3A_532 = arith.constant 0 : i32
      %dma_wait3A_533 = arith.constant 0 : i32
      %dma_wait3A_534 = tpu.memref_slice %arg3[%add3A_31, %dma_wait3A_528, %dma_wait3A_532, %dma_wait3A_533] : memref<1024x14x14x14xf32, #tpu.memory_space<hbm>> -> memref<1x1x14x14xf32, #tpu.memory_space<hbm>>
      %dma_wait3A_535 = tpu.memref_squeeze %dma_wait3A_534 : memref<1x1x14x14xf32, #tpu.memory_space<hbm>> -> memref<14x14xf32, #tpu.memory_space<hbm>>
      %dma_wait3A_536 = arith.constant 182 : i32
      %dma_wait3A_537 = arith.constant 0 : i32
      %dma_wait3A_538 = tpu.memref_slice %arg8[%dma_wait3A_536, %dma_wait3A_537] : memref<196x14xf32, #tpu.memory_space<vmem>> -> memref<14x14xf32, #tpu.memory_space<vmem>>
      %dma_wait3A_539 = arith.constant 0 : i32
      %dma_wait3A_540 = arith.constant 0 : i32
      %dma_wait3A_541 = tpu.memref_slice %arg3[%add3A_31, %dma_wait3A_528, %dma_wait3A_539, %dma_wait3A_540] : memref<1024x14x14x14xf32, #tpu.memory_space<hbm>> -> memref<1x1x14x14xf32, #tpu.memory_space<hbm>>
      %dma_wait3A_542 = tpu.memref_squeeze %dma_wait3A_541 : memref<1x1x14x14xf32, #tpu.memory_space<hbm>> -> memref<14x14xf32, #tpu.memory_space<hbm>>
      tpu.wait_dma2 semaphore(%arg14 : memref<!tpu.dma_semaphore, #tpu.memory_space<semaphore_mem>>) src(%dma_wait3A_542 : memref<14x14xf32, #tpu.memory_space<hbm>>) dst(%dma_wait3A_538 : memref<14x14xf32, #tpu.memory_space<vmem>>)
      %mul3A_543 = arith.constant 14 : i32
      %mul3A_544 = vector.broadcast %mul3A_543 : i32 to vector<16xi32>
      %mul3A_545 = arith.muli %min3A_4, %mul3A_544 : vector<16xi32>
      %sub3A = arith.constant 1.000000e+00 : f32
      %sub3A_546 = vector.broadcast %sub3A : f32 to vector<16xf32>
      %sub3A_547 = arith.subf %broadcast_in_dim3A_13, %sub3A_546 : vector<16xf32>
      %scan3A_548 = arith.constant 0 : i32
      %scan3A_549 = arith.constant 14 : i32
      %scan3A_550 = arith.addi %scan3A_548, %scan3A_549 : i32
      %scan3A_551 = arith.constant 1 : i32
      %scan3A_552:5 = scf.for %scan3A_661 = %scan3A_548 to %scan3A_550 step %scan3A_551 iter_args(%scan3A_662 = %sub3A_547, %scan3A_663 = %broadcast_in_dim3A_8, %scan3A_664 = %broadcast_in_dim3A_13, %scan3A_665 = %broadcast_in_dim3A_13, %scan3A_666 = %broadcast_in_dim3A_13) -> (vector<16xf32>, vector<16xi32>, vector<16xf32>, vector<16xf32>, vector<16xf32>)  : i32 {
        %add3A_667 = vector.broadcast %scan3A_661 : i32 to vector<16xi32>
        %add3A_668 = arith.addi %broadcast_in_dim3A_8, %add3A_667 : vector<16xi32>
        %gather3A_669 = tpu.vector_load_idx %arg11[%min3A_277, %add3A_668] : memref<14x14xf32, #tpu.memory_space<vmem>>[vector<16xi32>, vector<16xi32>], vector<16xf32>,
        %add3A_670 = vector.broadcast %scan3A_661 : i32 to vector<16xi32>
        %add3A_671 = arith.addi %mul3A_545, %add3A_670 : vector<16xi32>
        %add3A_672 = arith.constant 0 : i32
        %add3A_673 = vector.broadcast %add3A_672 : i32 to vector<16xi32>
        %add3A_674 = arith.addi %broadcast_in_dim3A_8, %add3A_673 : vector<16xi32>
        %gather3A_675 = tpu.vector_load_idx %arg8[%add3A_671, %add3A_674] : memref<196x14xf32, #tpu.memory_space<vmem>>[vector<16xi32>, vector<16xi32>], vector<16xf32>,
        %mul3A_676 = arith.mulf %gather3A_675, %gather3A_675 : vector<16xf32>
        %add3A_677 = arith.addf %scan3A_664, %mul3A_676 : vector<16xf32>
        %mul3A_678 = arith.mulf %gather3A_669, %gather3A_281 : vector<16xf32>
        %mul3A_679 = arith.mulf %gather3A_675, %mul3A_678 : vector<16xf32>
        %add3A_680 = arith.addf %scan3A_665, %mul3A_679 : vector<16xf32>
        %gt3A_681 = arith.cmpf ogt, %gather3A_675, %scan3A_662 : vector<16xf32>
        %mul3A_682 = arith.constant 14 : i32
        %mul3A_683 = arith.muli %mul3A_682, %scan3A_661 : i32
        %add3A_684 = vector.broadcast %mul3A_683 : i32 to vector<16xi32>
        %add3A_685 = arith.addi %broadcast_in_dim3A_8, %add3A_684 : vector<16xi32>
        %add3A_686 = arith.constant 0 : i32
        %add3A_687 = vector.broadcast %add3A_686 : i32 to vector<16xi32>
        %add3A_688 = arith.addi %add3A_685, %add3A_687 : vector<16xi32>
        %select_n3A_689 = arith.select %gt3A_681, %gather3A_675, %scan3A_662 : vector<16xi1>, vector<16xf32>
        %select_n3A_690 = arith.select %gt3A_681, %add3A_688, %scan3A_663 : vector<16xi1>, vector<16xi32>
        %add3A_691 = arith.constant 1 : i32
        %add3A_692 = vector.broadcast %add3A_691 : i32 to vector<16xi32>
        %add3A_693 = arith.addi %broadcast_in_dim3A_8, %add3A_692 : vector<16xi32>
        %gather3A_694 = tpu.vector_load_idx %arg8[%add3A_671, %add3A_693] : memref<196x14xf32, #tpu.memory_space<vmem>>[vector<16xi32>, vector<16xi32>], vector<16xf32>,
        %mul3A_695 = arith.mulf %gather3A_694, %gather3A_694 : vector<16xf32>
        %add3A_696 = arith.addf %add3A_677, %mul3A_695 : vector<16xf32>
        %mul3A_697 = arith.mulf %gather3A_669, %gather3A_285 : vector<16xf32>
        %mul3A_698 = arith.mulf %gather3A_694, %mul3A_697 : vector<16xf32>
        %add3A_699 = arith.addf %add3A_680, %mul3A_698 : vector<16xf32>
        %gt3A_700 = arith.cmpf ogt, %gather3A_694, %select_n3A_689 : vector<16xf32>
        %mul3A_701 = arith.constant 14 : i32
        %mul3A_702 = arith.muli %mul3A_701, %scan3A_661 : i32
        %add3A_703 = vector.broadcast %mul3A_702 : i32 to vector<16xi32>
        %add3A_704 = arith.addi %broadcast_in_dim3A_8, %add3A_703 : vector<16xi32>
        %add3A_705 = arith.constant 1 : i32
        %add3A_706 = vector.broadcast %add3A_705 : i32 to vector<16xi32>
        %add3A_707 = arith.addi %add3A_704, %add3A_706 : vector<16xi32>
        %select_n3A_708 = arith.select %gt3A_700, %gather3A_694, %select_n3A_689 : vector<16xi1>, vector<16xf32>
        %select_n3A_709 = arith.select %gt3A_700, %add3A_707, %select_n3A_690 : vector<16xi1>, vector<16xi32>
        %add3A_710 = arith.constant 2 : i32
        %add3A_711 = vector.broadcast %add3A_710 : i32 to vector<16xi32>
        %add3A_712 = arith.addi %broadcast_in_dim3A_8, %add3A_711 : vector<16xi32>
        %gather3A_713 = tpu.vector_load_idx %arg8[%add3A_671, %add3A_712] : memref<196x14xf32, #tpu.memory_space<vmem>>[vector<16xi32>, vector<16xi32>], vector<16xf32>,
        %mul3A_714 = arith.mulf %gather3A_713, %gather3A_713 : vector<16xf32>
        %add3A_715 = arith.addf %add3A_696, %mul3A_714 : vector<16xf32>
        %mul3A_716 = arith.mulf %gather3A_669, %gather3A_289 : vector<16xf32>
        %mul3A_717 = arith.mulf %gather3A_713, %mul3A_716 : vector<16xf32>
        %add3A_718 = arith.addf %add3A_699, %mul3A_717 : vector<16xf32>
        %gt3A_719 = arith.cmpf ogt, %gather3A_713, %select_n3A_708 : vector<16xf32>
        %mul3A_720 = arith.constant 14 : i32
        %mul3A_721 = arith.muli %mul3A_720, %scan3A_661 : i32
        %add3A_722 = vector.broadcast %mul3A_721 : i32 to vector<16xi32>
        %add3A_723 = arith.addi %broadcast_in_dim3A_8, %add3A_722 : vector<16xi32>
        %add3A_724 = arith.constant 2 : i32
        %add3A_725 = vector.broadcast %add3A_724 : i32 to vector<16xi32>
        %add3A_726 = arith.addi %add3A_723, %add3A_725 : vector<16xi32>
        %select_n3A_727 = arith.select %gt3A_719, %gather3A_713, %select_n3A_708 : vector<16xi1>, vector<16xf32>
        %select_n3A_728 = arith.select %gt3A_719, %add3A_726, %select_n3A_709 : vector<16xi1>, vector<16xi32>
        %add3A_729 = arith.constant 3 : i32
        %add3A_730 = vector.broadcast %add3A_729 : i32 to vector<16xi32>
        %add3A_731 = arith.addi %broadcast_in_dim3A_8, %add3A_730 : vector<16xi32>
        %gather3A_732 = tpu.vector_load_idx %arg8[%add3A_671, %add3A_731] : memref<196x14xf32, #tpu.memory_space<vmem>>[vector<16xi32>, vector<16xi32>], vector<16xf32>,
        %mul3A_733 = arith.mulf %gather3A_732, %gather3A_732 : vector<16xf32>
        %add3A_734 = arith.addf %add3A_715, %mul3A_733 : vector<16xf32>
        %mul3A_735 = arith.mulf %gather3A_669, %gather3A_293 : vector<16xf32>
        %mul3A_736 = arith.mulf %gather3A_732, %mul3A_735 : vector<16xf32>
        %add3A_737 = arith.addf %add3A_718, %mul3A_736 : vector<16xf32>
        %gt3A_738 = arith.cmpf ogt, %gather3A_732, %select_n3A_727 : vector<16xf32>
        %mul3A_739 = arith.constant 14 : i32
        %mul3A_740 = arith.muli %mul3A_739, %scan3A_661 : i32
        %add3A_741 = vector.broadcast %mul3A_740 : i32 to vector<16xi32>
        %add3A_742 = arith.addi %broadcast_in_dim3A_8, %add3A_741 : vector<16xi32>
        %add3A_743 = arith.constant 3 : i32
        %add3A_744 = vector.broadcast %add3A_743 : i32 to vector<16xi32>
        %add3A_745 = arith.addi %add3A_742, %add3A_744 : vector<16xi32>
        %select_n3A_746 = arith.select %gt3A_738, %gather3A_732, %select_n3A_727 : vector<16xi1>, vector<16xf32>
        %select_n3A_747 = arith.select %gt3A_738, %add3A_745, %select_n3A_728 : vector<16xi1>, vector<16xi32>
        %add3A_748 = arith.constant 4 : i32
        %add3A_749 = vector.broadcast %add3A_748 : i32 to vector<16xi32>
        %add3A_750 = arith.addi %broadcast_in_dim3A_8, %add3A_749 : vector<16xi32>
        %gather3A_751 = tpu.vector_load_idx %arg8[%add3A_671, %add3A_750] : memref<196x14xf32, #tpu.memory_space<vmem>>[vector<16xi32>, vector<16xi32>], vector<16xf32>,
        %mul3A_752 = arith.mulf %gather3A_751, %gather3A_751 : vector<16xf32>
        %add3A_753 = arith.addf %add3A_734, %mul3A_752 : vector<16xf32>
        %mul3A_754 = arith.mulf %gather3A_669, %gather3A_297 : vector<16xf32>
        %mul3A_755 = arith.mulf %gather3A_751, %mul3A_754 : vector<16xf32>
        %add3A_756 = arith.addf %add3A_737, %mul3A_755 : vector<16xf32>
        %gt3A_757 = arith.cmpf ogt, %gather3A_751, %select_n3A_746 : vector<16xf32>
        %mul3A_758 = arith.constant 14 : i32
        %mul3A_759 = arith.muli %mul3A_758, %scan3A_661 : i32
        %add3A_760 = vector.broadcast %mul3A_759 : i32 to vector<16xi32>
        %add3A_761 = arith.addi %broadcast_in_dim3A_8, %add3A_760 : vector<16xi32>
        %add3A_762 = arith.constant 4 : i32
        %add3A_763 = vector.broadcast %add3A_762 : i32 to vector<16xi32>
        %add3A_764 = arith.addi %add3A_761, %add3A_763 : vector<16xi32>
        %select_n3A_765 = arith.select %gt3A_757, %gather3A_751, %select_n3A_746 : vector<16xi1>, vector<16xf32>
        %select_n3A_766 = arith.select %gt3A_757, %add3A_764, %select_n3A_747 : vector<16xi1>, vector<16xi32>
        %add3A_767 = arith.constant 5 : i32
        %add3A_768 = vector.broadcast %add3A_767 : i32 to vector<16xi32>
        %add3A_769 = arith.addi %broadcast_in_dim3A_8, %add3A_768 : vector<16xi32>
        %gather3A_770 = tpu.vector_load_idx %arg8[%add3A_671, %add3A_769] : memref<196x14xf32, #tpu.memory_space<vmem>>[vector<16xi32>, vector<16xi32>], vector<16xf32>,
        %mul3A_771 = arith.mulf %gather3A_770, %gather3A_770 : vector<16xf32>
        %add3A_772 = arith.addf %add3A_753, %mul3A_771 : vector<16xf32>
        %mul3A_773 = arith.mulf %gather3A_669, %gather3A_301 : vector<16xf32>
        %mul3A_774 = arith.mulf %gather3A_770, %mul3A_773 : vector<16xf32>
        %add3A_775 = arith.addf %add3A_756, %mul3A_774 : vector<16xf32>
        %gt3A_776 = arith.cmpf ogt, %gather3A_770, %select_n3A_765 : vector<16xf32>
        %mul3A_777 = arith.constant 14 : i32
        %mul3A_778 = arith.muli %mul3A_777, %scan3A_661 : i32
        %add3A_779 = vector.broadcast %mul3A_778 : i32 to vector<16xi32>
        %add3A_780 = arith.addi %broadcast_in_dim3A_8, %add3A_779 : vector<16xi32>
        %add3A_781 = arith.constant 5 : i32
        %add3A_782 = vector.broadcast %add3A_781 : i32 to vector<16xi32>
        %add3A_783 = arith.addi %add3A_780, %add3A_782 : vector<16xi32>
        %select_n3A_784 = arith.select %gt3A_776, %gather3A_770, %select_n3A_765 : vector<16xi1>, vector<16xf32>
        %select_n3A_785 = arith.select %gt3A_776, %add3A_783, %select_n3A_766 : vector<16xi1>, vector<16xi32>
        %add3A_786 = arith.constant 6 : i32
        %add3A_787 = vector.broadcast %add3A_786 : i32 to vector<16xi32>
        %add3A_788 = arith.addi %broadcast_in_dim3A_8, %add3A_787 : vector<16xi32>
        %gather3A_789 = tpu.vector_load_idx %arg8[%add3A_671, %add3A_788] : memref<196x14xf32, #tpu.memory_space<vmem>>[vector<16xi32>, vector<16xi32>], vector<16xf32>,
        %mul3A_790 = arith.mulf %gather3A_789, %gather3A_789 : vector<16xf32>
        %add3A_791 = arith.addf %add3A_772, %mul3A_790 : vector<16xf32>
        %mul3A_792 = arith.mulf %gather3A_669, %gather3A_305 : vector<16xf32>
        %mul3A_793 = arith.mulf %gather3A_789, %mul3A_792 : vector<16xf32>
        %add3A_794 = arith.addf %add3A_775, %mul3A_793 : vector<16xf32>
        %gt3A_795 = arith.cmpf ogt, %gather3A_789, %select_n3A_784 : vector<16xf32>
        %mul3A_796 = arith.constant 14 : i32
        %mul3A_797 = arith.muli %mul3A_796, %scan3A_661 : i32
        %add3A_798 = vector.broadcast %mul3A_797 : i32 to vector<16xi32>
        %add3A_799 = arith.addi %broadcast_in_dim3A_8, %add3A_798 : vector<16xi32>
        %add3A_800 = arith.constant 6 : i32
        %add3A_801 = vector.broadcast %add3A_800 : i32 to vector<16xi32>
        %add3A_802 = arith.addi %add3A_799, %add3A_801 : vector<16xi32>
        %select_n3A_803 = arith.select %gt3A_795, %gather3A_789, %select_n3A_784 : vector<16xi1>, vector<16xf32>
        %select_n3A_804 = arith.select %gt3A_795, %add3A_802, %select_n3A_785 : vector<16xi1>, vector<16xi32>
        %add3A_805 = arith.constant 7 : i32
        %add3A_806 = vector.broadcast %add3A_805 : i32 to vector<16xi32>
        %add3A_807 = arith.addi %broadcast_in_dim3A_8, %add3A_806 : vector<16xi32>
        %gather3A_808 = tpu.vector_load_idx %arg8[%add3A_671, %add3A_807] : memref<196x14xf32, #tpu.memory_space<vmem>>[vector<16xi32>, vector<16xi32>], vector<16xf32>,
        %mul3A_809 = arith.mulf %gather3A_808, %gather3A_808 : vector<16xf32>
        %add3A_810 = arith.addf %add3A_791, %mul3A_809 : vector<16xf32>
        %mul3A_811 = arith.mulf %gather3A_669, %gather3A_309 : vector<16xf32>
        %mul3A_812 = arith.mulf %gather3A_808, %mul3A_811 : vector<16xf32>
        %add3A_813 = arith.addf %add3A_794, %mul3A_812 : vector<16xf32>
        %gt3A_814 = arith.cmpf ogt, %gather3A_808, %select_n3A_803 : vector<16xf32>
        %mul3A_815 = arith.constant 14 : i32
        %mul3A_816 = arith.muli %mul3A_815, %scan3A_661 : i32
        %add3A_817 = vector.broadcast %mul3A_816 : i32 to vector<16xi32>
        %add3A_818 = arith.addi %broadcast_in_dim3A_8, %add3A_817 : vector<16xi32>
        %add3A_819 = arith.constant 7 : i32
        %add3A_820 = vector.broadcast %add3A_819 : i32 to vector<16xi32>
        %add3A_821 = arith.addi %add3A_818, %add3A_820 : vector<16xi32>
        %select_n3A_822 = arith.select %gt3A_814, %gather3A_808, %select_n3A_803 : vector<16xi1>, vector<16xf32>
        %select_n3A_823 = arith.select %gt3A_814, %add3A_821, %select_n3A_804 : vector<16xi1>, vector<16xi32>
        %add3A_824 = arith.constant 8 : i32
        %add3A_825 = vector.broadcast %add3A_824 : i32 to vector<16xi32>
        %add3A_826 = arith.addi %broadcast_in_dim3A_8, %add3A_825 : vector<16xi32>
        %gather3A_827 = tpu.vector_load_idx %arg8[%add3A_671, %add3A_826] : memref<196x14xf32, #tpu.memory_space<vmem>>[vector<16xi32>, vector<16xi32>], vector<16xf32>,
        %mul3A_828 = arith.mulf %gather3A_827, %gather3A_827 : vector<16xf32>
        %add3A_829 = arith.addf %add3A_810, %mul3A_828 : vector<16xf32>
        %mul3A_830 = arith.mulf %gather3A_669, %gather3A_313 : vector<16xf32>
        %mul3A_831 = arith.mulf %gather3A_827, %mul3A_830 : vector<16xf32>
        %add3A_832 = arith.addf %add3A_813, %mul3A_831 : vector<16xf32>
        %gt3A_833 = arith.cmpf ogt, %gather3A_827, %select_n3A_822 : vector<16xf32>
        %mul3A_834 = arith.constant 14 : i32
        %mul3A_835 = arith.muli %mul3A_834, %scan3A_661 : i32
        %add3A_836 = vector.broadcast %mul3A_835 : i32 to vector<16xi32>
        %add3A_837 = arith.addi %broadcast_in_dim3A_8, %add3A_836 : vector<16xi32>
        %add3A_838 = arith.constant 8 : i32
        %add3A_839 = vector.broadcast %add3A_838 : i32 to vector<16xi32>
        %add3A_840 = arith.addi %add3A_837, %add3A_839 : vector<16xi32>
        %select_n3A_841 = arith.select %gt3A_833, %gather3A_827, %select_n3A_822 : vector<16xi1>, vector<16xf32>
        %select_n3A_842 = arith.select %gt3A_833, %add3A_840, %select_n3A_823 : vector<16xi1>, vector<16xi32>
        %add3A_843 = arith.constant 9 : i32
        %add3A_844 = vector.broadcast %add3A_843 : i32 to vector<16xi32>
        %add3A_845 = arith.addi %broadcast_in_dim3A_8, %add3A_844 : vector<16xi32>
        %gather3A_846 = tpu.vector_load_idx %arg8[%add3A_671, %add3A_845] : memref<196x14xf32, #tpu.memory_space<vmem>>[vector<16xi32>, vector<16xi32>], vector<16xf32>,
        %mul3A_847 = arith.mulf %gather3A_846, %gather3A_846 : vector<16xf32>
        %add3A_848 = arith.addf %add3A_829, %mul3A_847 : vector<16xf32>
        %mul3A_849 = arith.mulf %gather3A_669, %gather3A_317 : vector<16xf32>
        %mul3A_850 = arith.mulf %gather3A_846, %mul3A_849 : vector<16xf32>
        %add3A_851 = arith.addf %add3A_832, %mul3A_850 : vector<16xf32>
        %gt3A_852 = arith.cmpf ogt, %gather3A_846, %select_n3A_841 : vector<16xf32>
        %mul3A_853 = arith.constant 14 : i32
        %mul3A_854 = arith.muli %mul3A_853, %scan3A_661 : i32
        %add3A_855 = vector.broadcast %mul3A_854 : i32 to vector<16xi32>
        %add3A_856 = arith.addi %broadcast_in_dim3A_8, %add3A_855 : vector<16xi32>
        %add3A_857 = arith.constant 9 : i32
        %add3A_858 = vector.broadcast %add3A_857 : i32 to vector<16xi32>
        %add3A_859 = arith.addi %add3A_856, %add3A_858 : vector<16xi32>
        %select_n3A_860 = arith.select %gt3A_852, %gather3A_846, %select_n3A_841 : vector<16xi1>, vector<16xf32>
        %select_n3A_861 = arith.select %gt3A_852, %add3A_859, %select_n3A_842 : vector<16xi1>, vector<16xi32>
        %add3A_862 = arith.constant 10 : i32
        %add3A_863 = vector.broadcast %add3A_862 : i32 to vector<16xi32>
        %add3A_864 = arith.addi %broadcast_in_dim3A_8, %add3A_863 : vector<16xi32>
        %gather3A_865 = tpu.vector_load_idx %arg8[%add3A_671, %add3A_864] : memref<196x14xf32, #tpu.memory_space<vmem>>[vector<16xi32>, vector<16xi32>], vector<16xf32>,
        %mul3A_866 = arith.mulf %gather3A_865, %gather3A_865 : vector<16xf32>
        %add3A_867 = arith.addf %add3A_848, %mul3A_866 : vector<16xf32>
        %mul3A_868 = arith.mulf %gather3A_669, %gather3A_321 : vector<16xf32>
        %mul3A_869 = arith.mulf %gather3A_865, %mul3A_868 : vector<16xf32>
        %add3A_870 = arith.addf %add3A_851, %mul3A_869 : vector<16xf32>
        %gt3A_871 = arith.cmpf ogt, %gather3A_865, %select_n3A_860 : vector<16xf32>
        %mul3A_872 = arith.constant 14 : i32
        %mul3A_873 = arith.muli %mul3A_872, %scan3A_661 : i32
        %add3A_874 = vector.broadcast %mul3A_873 : i32 to vector<16xi32>
        %add3A_875 = arith.addi %broadcast_in_dim3A_8, %add3A_874 : vector<16xi32>
        %add3A_876 = arith.constant 10 : i32
        %add3A_877 = vector.broadcast %add3A_876 : i32 to vector<16xi32>
        %add3A_878 = arith.addi %add3A_875, %add3A_877 : vector<16xi32>
        %select_n3A_879 = arith.select %gt3A_871, %gather3A_865, %select_n3A_860 : vector<16xi1>, vector<16xf32>
        %select_n3A_880 = arith.select %gt3A_871, %add3A_878, %select_n3A_861 : vector<16xi1>, vector<16xi32>
        %add3A_881 = arith.constant 11 : i32
        %add3A_882 = vector.broadcast %add3A_881 : i32 to vector<16xi32>
        %add3A_883 = arith.addi %broadcast_in_dim3A_8, %add3A_882 : vector<16xi32>
        %gather3A_884 = tpu.vector_load_idx %arg8[%add3A_671, %add3A_883] : memref<196x14xf32, #tpu.memory_space<vmem>>[vector<16xi32>, vector<16xi32>], vector<16xf32>,
        %mul3A_885 = arith.mulf %gather3A_884, %gather3A_884 : vector<16xf32>
        %add3A_886 = arith.addf %add3A_867, %mul3A_885 : vector<16xf32>
        %mul3A_887 = arith.mulf %gather3A_669, %gather3A_325 : vector<16xf32>
        %mul3A_888 = arith.mulf %gather3A_884, %mul3A_887 : vector<16xf32>
        %add3A_889 = arith.addf %add3A_870, %mul3A_888 : vector<16xf32>
        %gt3A_890 = arith.cmpf ogt, %gather3A_884, %select_n3A_879 : vector<16xf32>
        %mul3A_891 = arith.constant 14 : i32
        %mul3A_892 = arith.muli %mul3A_891, %scan3A_661 : i32
        %add3A_893 = vector.broadcast %mul3A_892 : i32 to vector<16xi32>
        %add3A_894 = arith.addi %broadcast_in_dim3A_8, %add3A_893 : vector<16xi32>
        %add3A_895 = arith.constant 11 : i32
        %add3A_896 = vector.broadcast %add3A_895 : i32 to vector<16xi32>
        %add3A_897 = arith.addi %add3A_894, %add3A_896 : vector<16xi32>
        %select_n3A_898 = arith.select %gt3A_890, %gather3A_884, %select_n3A_879 : vector<16xi1>, vector<16xf32>
        %select_n3A_899 = arith.select %gt3A_890, %add3A_897, %select_n3A_880 : vector<16xi1>, vector<16xi32>
        %add3A_900 = arith.constant 12 : i32
        %add3A_901 = vector.broadcast %add3A_900 : i32 to vector<16xi32>
        %add3A_902 = arith.addi %broadcast_in_dim3A_8, %add3A_901 : vector<16xi32>
        %gather3A_903 = tpu.vector_load_idx %arg8[%add3A_671, %add3A_902] : memref<196x14xf32, #tpu.memory_space<vmem>>[vector<16xi32>, vector<16xi32>], vector<16xf32>,
        %mul3A_904 = arith.mulf %gather3A_903, %gather3A_903 : vector<16xf32>
        %add3A_905 = arith.addf %add3A_886, %mul3A_904 : vector<16xf32>
        %mul3A_906 = arith.mulf %gather3A_669, %gather3A_329 : vector<16xf32>
        %mul3A_907 = arith.mulf %gather3A_903, %mul3A_906 : vector<16xf32>
        %add3A_908 = arith.addf %add3A_889, %mul3A_907 : vector<16xf32>
        %gt3A_909 = arith.cmpf ogt, %gather3A_903, %select_n3A_898 : vector<16xf32>
        %mul3A_910 = arith.constant 14 : i32
        %mul3A_911 = arith.muli %mul3A_910, %scan3A_661 : i32
        %add3A_912 = vector.broadcast %mul3A_911 : i32 to vector<16xi32>
        %add3A_913 = arith.addi %broadcast_in_dim3A_8, %add3A_912 : vector<16xi32>
        %add3A_914 = arith.constant 12 : i32
        %add3A_915 = vector.broadcast %add3A_914 : i32 to vector<16xi32>
        %add3A_916 = arith.addi %add3A_913, %add3A_915 : vector<16xi32>
        %select_n3A_917 = arith.select %gt3A_909, %gather3A_903, %select_n3A_898 : vector<16xi1>, vector<16xf32>
        %select_n3A_918 = arith.select %gt3A_909, %add3A_916, %select_n3A_899 : vector<16xi1>, vector<16xi32>
        %add3A_919 = arith.constant 13 : i32
        %add3A_920 = vector.broadcast %add3A_919 : i32 to vector<16xi32>
        %add3A_921 = arith.addi %broadcast_in_dim3A_8, %add3A_920 : vector<16xi32>
        %gather3A_922 = tpu.vector_load_idx %arg8[%add3A_671, %add3A_921] : memref<196x14xf32, #tpu.memory_space<vmem>>[vector<16xi32>, vector<16xi32>], vector<16xf32>,
        %mul3A_923 = arith.mulf %gather3A_922, %gather3A_922 : vector<16xf32>
        %add3A_924 = arith.addf %add3A_905, %mul3A_923 : vector<16xf32>
        %mul3A_925 = arith.mulf %gather3A_669, %gather3A_333 : vector<16xf32>
        %mul3A_926 = arith.mulf %gather3A_922, %mul3A_925 : vector<16xf32>
        %add3A_927 = arith.addf %add3A_908, %mul3A_926 : vector<16xf32>
        %gt3A_928 = arith.cmpf ogt, %gather3A_922, %select_n3A_917 : vector<16xf32>
        %mul3A_929 = arith.constant 14 : i32
        %mul3A_930 = arith.muli %mul3A_929, %scan3A_661 : i32
        %add3A_931 = vector.broadcast %mul3A_930 : i32 to vector<16xi32>
        %add3A_932 = arith.addi %broadcast_in_dim3A_8, %add3A_931 : vector<16xi32>
        %add3A_933 = arith.constant 13 : i32
        %add3A_934 = vector.broadcast %add3A_933 : i32 to vector<16xi32>
        %add3A_935 = arith.addi %add3A_932, %add3A_934 : vector<16xi32>
        %select_n3A_936 = arith.select %gt3A_928, %gather3A_922, %select_n3A_917 : vector<16xi1>, vector<16xf32>
        %select_n3A_937 = arith.select %gt3A_928, %add3A_935, %select_n3A_918 : vector<16xi1>, vector<16xi32>
        %add3A_938 = vector.broadcast %scan3A_661 : i32 to vector<16xi32>
        %add3A_939 = arith.addi %broadcast_in_dim3A_8, %add3A_938 : vector<16xi32>
        %eq3A_940 = arith.constant 0 : i32
        %eq3A_941 = vector.broadcast %eq3A_940 : i32 to vector<16xi32>
        %eq3A_942 = arith.cmpi eq, %add3A_939, %eq3A_941 : vector<16xi32>
        %select_n3A_943 = arith.select %eq3A_942, %add3A_924, %scan3A_666 : vector<16xi1>, vector<16xf32>
        scf.yield %select_n3A_936, %select_n3A_937, %add3A_924, %add3A_927, %select_n3A_943 : vector<16xf32>, vector<16xi32>, vector<16xf32>, vector<16xf32>, vector<16xf32>
      }
      %scan3A_553 = arith.constant 14 : i32
      %eq3A = arith.constant 1.000000e+00 : f32
      %eq3A_554 = vector.broadcast %eq3A : f32 to vector<16xf32>
      %eq3A_555 = arith.cmpf oeq, %mul3A_254, %eq3A_554 : vector<16xf32>
      %jit3A_556 = arith.constant -2.000000e+00 : f32
      %jit3A_557 = arith.constant 0.000000e+00 : f32
      %broadcast_in_dim3A_558 = vector.broadcast %jit3A_556 : f32 to vector<16xf32>
      %broadcast_in_dim3A_559 = vector.broadcast %jit3A_557 : f32 to vector<16xf32>
      %select_n3A = arith.select %eq3A_555, %broadcast_in_dim3A_558, %broadcast_in_dim3A_559 : vector<16xi1>, vector<16xf32>
      %gather3A_560 = tpu.vector_load_idx %arg12[%min3A_277] : memref<14xf32, #tpu.memory_space<vmem>>[vector<16xi32>], vector<16xf32>,
      %gather3A_561 = tpu.vector_load_idx %arg12[%min3A_267] : memref<14xf32, #tpu.memory_space<vmem>>[vector<16xi32>], vector<16xf32>,
      %mul3A_562 = arith.mulf %gather3A_560, %gather3A_561 : vector<16xf32>
      %mul3A_563 = arith.mulf %select_n3A, %scan3A_552#3 : vector<16xf32>
      %add3A_564 = arith.addf %scan3A_552#2, %mul3A_563 : vector<16xf32>
      %jit3A_565 = arith.constant 0.000000e+00 : f32
      %broadcast_in_dim3A_566 = vector.broadcast %jit3A_565 : f32 to vector<16xf32>
      %select_n3A_567 = arith.select %eq3A_555, %mul3A_562, %broadcast_in_dim3A_566 : vector<16xi1>, vector<16xf32>
      %add3A_568 = arith.addf %add3A_564, %select_n3A_567 : vector<16xf32>
      %jit3A_569 = arith.constant 0.000000e+00 : f32
      %broadcast_in_dim3A_570 = vector.broadcast %jit3A_569 : f32 to vector<16xf32>
      %select_n3A_571 = arith.select %eq3A_555, %broadcast_in_dim3A_570, %scan3A_552#4 : vector<16xi1>, vector<16xf32>
      %sub3A_572 = arith.subf %add3A_568, %select_n3A_571 : vector<16xf32>
      %mul3A_573 = arith.mulf %convert_element_type3A_7, %sub3A_572 : vector<16xf32>
      %add3A_574 = arith.addf %scan3A_28, %mul3A_573 : vector<16xf32>
      %jit3A_575 = arith.constant 14 : i32
      %div3A = vector.broadcast %jit3A_575 : i32 to vector<16xi32>
      %div3A_576 = arith.divsi %scan3A_552#1, %div3A : vector<16xi32>
      %sign3A = arith.constant 0 : i32
      %sign3A_577 = vector.broadcast %sign3A : i32 to vector<16xi32>
      %sign3A_578 = arith.cmpi sgt, %scan3A_552#1, %sign3A_577 : vector<16xi32>
      %sign3A_579 = arith.extui %sign3A_578 : vector<16xi1> to vector<16xi32>
      %sign3A_580 = arith.constant 0 : i32
      %sign3A_581 = vector.broadcast %sign3A_580 : i32 to vector<16xi32>
      %sign3A_582 = arith.cmpi slt, %scan3A_552#1, %sign3A_581 : vector<16xi32>
      %sign3A_583 = arith.extui %sign3A_582 : vector<16xi1> to vector<16xi32>
      %sign3A_584 = arith.subi %sign3A_579, %sign3A_583 : vector<16xi32>
      %sign3A_585 = arith.constant 0 : i32
      %sign3A_586 = arith.cmpi sgt, %jit3A_575, %sign3A_585 : i32
      %sign3A_587 = arith.extui %sign3A_586 : i1 to i32
      %sign3A_588 = arith.constant 0 : i32
      %sign3A_589 = arith.cmpi slt, %jit3A_575, %sign3A_588 : i32
      %sign3A_590 = arith.extui %sign3A_589 : i1 to i32
      %sign3A_591 = arith.subi %sign3A_587, %sign3A_590 : i32
      %ne3A = vector.broadcast %sign3A_591 : i32 to vector<16xi32>
      %ne3A_592 = arith.cmpi ne, %sign3A_584, %ne3A : vector<16xi32>
      %rem3A = vector.broadcast %jit3A_575 : i32 to vector<16xi32>
      %rem3A_593 = arith.remsi %scan3A_552#1, %rem3A : vector<16xi32>
      %ne3A_594 = arith.constant 0 : i32
      %ne3A_595 = vector.broadcast %ne3A_594 : i32 to vector<16xi32>
      %ne3A_596 = arith.cmpi ne, %rem3A_593, %ne3A_595 : vector<16xi32>
      %and3A = arith.andi %ne3A_592, %ne3A_596 : vector<16xi1>
      %sub3A_597 = arith.constant 1 : i32
      %sub3A_598 = vector.broadcast %sub3A_597 : i32 to vector<16xi32>
      %sub3A_599 = arith.subi %div3A_576, %sub3A_598 : vector<16xi32>
      %select_n3A_600 = arith.select %and3A, %sub3A_599, %div3A_576 : vector<16xi1>, vector<16xi32>
      %mul3A_601 = arith.constant 14 : i32
      %mul3A_602 = vector.broadcast %mul3A_601 : i32 to vector<16xi32>
      %mul3A_603 = arith.muli %select_n3A_600, %mul3A_602 : vector<16xi32>
      %sub3A_604 = arith.subi %scan3A_552#1, %mul3A_603 : vector<16xi32>
      %gt3A = arith.constant 5.000000e-01 : f32
      %gt3A_605 = vector.broadcast %gt3A : f32 to vector<16xf32>
      %gt3A_606 = arith.cmpf ogt, %scan3A_552#0, %gt3A_605 : vector<16xf32>
      %mul3A_607 = arith.constant 0.0714285746 : f32
      %mul3A_608 = vector.broadcast %mul3A_607 : f32 to vector<16xf32>
      %mul3A_609 = arith.mulf %mul3A_254, %mul3A_608 : vector<16xf32>
      %jit3A_610 = arith.constant 0.000000e+00 : f32
      %broadcast_in_dim3A_611 = vector.broadcast %jit3A_610 : f32 to vector<16xf32>
      %select_n3A_612 = arith.select %gt3A_606, %mul3A_609, %broadcast_in_dim3A_611 : vector<16xi1>, vector<16xf32>
      %convert_element_type3A_613 = arith.sitofp %sub3A_604 : vector<16xi32> to vector<16xf32>
      %mul3A_614 = arith.constant 0.0714285746 : f32
      %mul3A_615 = vector.broadcast %mul3A_614 : f32 to vector<16xf32>
      %mul3A_616 = arith.mulf %convert_element_type3A_613, %mul3A_615 : vector<16xf32>
      %sub3A_617 = arith.subf %mul3A_616, %gather3A : vector<16xf32>
      %neg3A = arith.constant 0.000000e+00 : f32
      %neg3A_618 = vector.broadcast %neg3A : f32 to vector<16xf32>
      %neg3A_619 = arith.subf %neg3A_618, %gather3A : vector<16xf32>
      %select_n3A_620 = arith.select %gt3A_606, %sub3A_617, %neg3A_619 : vector<16xi1>, vector<16xf32>
      %mul3A_621 = arith.mulf %mul3A_254, %select_n3A_620 : vector<16xf32>
      %mul3A_622 = arith.constant 0.0714285746 : f32
      %mul3A_623 = vector.broadcast %mul3A_622 : f32 to vector<16xf32>
      %mul3A_624 = arith.mulf %mul3A_259, %mul3A_623 : vector<16xf32>
      %jit3A_625 = arith.constant 0.000000e+00 : f32
      %broadcast_in_dim3A_626 = vector.broadcast %jit3A_625 : f32 to vector<16xf32>
      %select_n3A_627 = arith.select %gt3A_606, %mul3A_624, %broadcast_in_dim3A_626 : vector<16xi1>, vector<16xf32>
      %convert_element_type3A_628 = arith.sitofp %select_n3A_600 : vector<16xi32> to vector<16xf32>
      %mul3A_629 = arith.constant 0.0714285746 : f32
      %mul3A_630 = vector.broadcast %mul3A_629 : f32 to vector<16xf32>
      %mul3A_631 = arith.mulf %convert_element_type3A_628, %mul3A_630 : vector<16xf32>
      %sub3A_632 = arith.subf %mul3A_631, %gather3A_249 : vector<16xf32>
      %neg3A_633 = arith.constant 0.000000e+00 : f32
      %neg3A_634 = vector.broadcast %neg3A_633 : f32 to vector<16xf32>
      %neg3A_635 = arith.subf %neg3A_634, %gather3A_249 : vector<16xf32>
      %select_n3A_636 = arith.select %gt3A_606, %sub3A_632, %neg3A_635 : vector<16xi1>, vector<16xf32>
      %mul3A_637 = arith.mulf %mul3A_259, %select_n3A_636 : vector<16xf32>
      %mul3A_638 = arith.constant 14 : i32
      %mul3A_639 = vector.broadcast %mul3A_638 : i32 to vector<16xi32>
      %mul3A_640 = arith.muli %min3A_4, %mul3A_639 : vector<16xi32>
      %add3A_641 = arith.addi %mul3A_640, %select_n3A_600 : vector<16xi32>
      %gather3A_642 = tpu.vector_load_idx %arg9[%add3A_641, %sub3A_604] : memref<392x14xf32, #tpu.memory_space<vmem>>[vector<16xi32>, vector<16xi32>], vector<16xf32>,
      %add3A_643 = arith.constant 14 : i32
      %add3A_644 = vector.broadcast %add3A_643 : i32 to vector<16xi32>
      %add3A_645 = arith.addi %min3A_4, %add3A_644 : vector<16xi32>
      %mul3A_646 = arith.constant 14 : i32
      %mul3A_647 = vector.broadcast %mul3A_646 : i32 to vector<16xi32>
      %mul3A_648 = arith.muli %add3A_645, %mul3A_647 : vector<16xi32>
      %add3A_649 = arith.addi %mul3A_648, %select_n3A_600 : vector<16xi32>
      %gather3A_650 = tpu.vector_load_idx %arg9[%add3A_649, %sub3A_604] : memref<392x14xf32, #tpu.memory_space<vmem>>[vector<16xi32>, vector<16xi32>], vector<16xf32>,
      %mul3A_651 = arith.mulf %select_n3A_612, %gather3A_642 : vector<16xf32>
      %add3A_652 = arith.addf %mul3A_651, %mul3A_621 : vector<16xf32>
      %mul3A_653 = arith.mulf %select_n3A_627, %gather3A_650 : vector<16xf32>
      %add3A_654 = arith.addf %mul3A_653, %mul3A_637 : vector<16xf32>
      %mul3A_655 = arith.mulf %add3A_652, %add3A_652 : vector<16xf32>
      %add3A_656 = arith.addf %scan3A_29, %mul3A_655 : vector<16xf32>
      %mul3A_657 = arith.mulf %add3A_654, %add3A_654 : vector<16xf32>
      %add3A_658 = arith.addf %add3A_656, %mul3A_657 : vector<16xf32>
      %add3A_659 = arith.addf %scan3A_30, %mul3A_254 : vector<16xf32>
      %add3A_660 = arith.addf %add3A_659, %mul3A_259 : vector<16xf32>
      scf.yield %add3A_574, %add3A_658, %add3A_660 : vector<16xf32>, vector<16xf32>, vector<16xf32>
    }
    %scan3A_18 = arith.constant 32 : i32
    %add3A_19 = arith.addf %scan3A_17#0, %scan3A_17#1 : vector<16xf32>
    %swap3A = arith.constant 0 : i32
    %swap3A_20 = arith.index_cast %swap3A : i32 to index
    %swap3A_21 = arith.constant 0 : index
    %swap3A_22 = tpu.vector_load %arg13[%swap3A_20, %swap3A_21] {strides = array<i32>} : memref<2x16xf32, #tpu.memory_space<vmem>>, vector<16xf32>,
    tpu.vector_store %arg13[%swap3A_20, %swap3A_21], %add3A_19 {strides = array<i32>} : memref<2x16xf32, #tpu.memory_space<vmem>>, vector<16xf32>,
    %swap3A_23 = arith.constant 1 : i32
    %swap3A_24 = arith.index_cast %swap3A_23 : i32 to index
    %swap3A_25 = arith.constant 0 : index
    %swap3A_26 = tpu.vector_load %arg13[%swap3A_24, %swap3A_25] {strides = array<i32>} : memref<2x16xf32, #tpu.memory_space<vmem>>, vector<16xf32>,
    tpu.vector_store %arg13[%swap3A_24, %swap3A_25], %scan3A_17#2 {strides = array<i32>} : memref<2x16xf32, #tpu.memory_space<vmem>>, vector<16xf32>,
    "tpu.region"() ({
      %run_scoped3A = tpu.sem_alloc : memref<!tpu.dma_semaphore, #tpu.memory_space<semaphore_mem>>
      %dma_start3A = arith.constant 0 : i32
      %dma_start3A_27 = arith.constant 0 : i32
      %dma_start3A_28 = tpu.memref_slice %arg7[%add3A, %dma_start3A, %dma_start3A_27] : memref<32x2x16xf32, #tpu.memory_space<hbm>> -> memref<1x2x16xf32, #tpu.memory_space<hbm>>
      %dma_start3A_29 = tpu.memref_squeeze %dma_start3A_28 : memref<1x2x16xf32, #tpu.memory_space<hbm>> -> memref<2x16xf32, #tpu.memory_space<hbm>>
      %dma_start3A_30 = arith.constant 0 : i32
      %dma_start3A_31 = arith.constant 0 : i32
      %dma_start3A_32 = tpu.memref_slice %arg7[%add3A, %dma_start3A_30, %dma_start3A_31] : memref<32x2x16xf32, #tpu.memory_space<hbm>> -> memref<1x2x16xf32, #tpu.memory_space<hbm>>
      %dma_start3A_33 = tpu.memref_squeeze %dma_start3A_32 : memref<1x2x16xf32, #tpu.memory_space<hbm>> -> memref<2x16xf32, #tpu.memory_space<hbm>>
      tpu.enqueue_dma source(%arg13 : memref<2x16xf32, #tpu.memory_space<vmem>>) target(%dma_start3A_33 : memref<2x16xf32, #tpu.memory_space<hbm>>) target_semaphore(%run_scoped3A : memref<!tpu.dma_semaphore, #tpu.memory_space<semaphore_mem>>)
      %dma_wait3A = arith.constant 0 : i32
      %dma_wait3A_34 = arith.constant 0 : i32
      %dma_wait3A_35 = tpu.memref_slice %arg7[%add3A, %dma_wait3A, %dma_wait3A_34] : memref<32x2x16xf32, #tpu.memory_space<hbm>> -> memref<1x2x16xf32, #tpu.memory_space<hbm>>
      %dma_wait3A_36 = tpu.memref_squeeze %dma_wait3A_35 : memref<1x2x16xf32, #tpu.memory_space<hbm>> -> memref<2x16xf32, #tpu.memory_space<hbm>>
      %dma_wait3A_37 = arith.constant 0 : i32
      %dma_wait3A_38 = arith.constant 0 : i32
      %dma_wait3A_39 = tpu.memref_slice %arg7[%add3A, %dma_wait3A_37, %dma_wait3A_38] : memref<32x2x16xf32, #tpu.memory_space<hbm>> -> memref<1x2x16xf32, #tpu.memory_space<hbm>>
      %dma_wait3A_40 = tpu.memref_squeeze %dma_wait3A_39 : memref<1x2x16xf32, #tpu.memory_space<hbm>> -> memref<2x16xf32, #tpu.memory_space<hbm>>
      tpu.wait_dma2 semaphore(%run_scoped3A : memref<!tpu.dma_semaphore, #tpu.memory_space<semaphore_mem>>) src(%arg13 : memref<2x16xf32, #tpu.memory_space<vmem>>) dst(%dma_wait3A_40 : memref<2x16xf32, #tpu.memory_space<hbm>>)
      tpu.yield
    }) : () -> ()
    return
  }
}

</mosaic_0001>

<sc_bundles>
// kernel: _run.3.cloned.1.call-start
scs
__scs_entry_jumppad:
0x0: {  	(pc) =	sbr.rel $0x88, $3  }
0x1: {  	(tag) =	ssettag $0x0;
	lr =	simm.s32 $0x1  }
0x2: {  	[smem:$0x3F9D] =	sst lr;
	_ =	strace $0xD0000000  }
0x3: {  	_ = 	snop  }
0x4: {  	_ = 	snop  }
0x5: {  	_ = 	snop  }
0x6: {  	_ = 	snop  }
0x7: {  	_ = 	snop  }
__scs_overlays_trampoline_lowered:
0x8: {  	[smem:$0x3FAC] =	sst s0  }
0x9: {  	[smem:$0x3FAD] =	sst s1  }
0xa: {  	[smem:$0x3FAE] =	sst s2  }
0xb: {  	[smem:$0x3FAF] =	sst s3  }
0xc: {  	[smem:$0x3FB0] =	sst s4  }
0xd: {  	[smem:$0x3FB1] =	sst s5  }
0xe: {  	[smem:$0x3FB2] =	sst s6  }
0xf: {  	[smem:$0x3FB3] =	sst s7  }
0x10: {  	[smem:$0x3FB4] =	sst s8  }
0x11: {  	[smem:$0x3FB5] =	sst s9;
	s0 =	simm.s32 @!p0 $0x0  }
0x12: {  	s1 =	sld [smem:$0x3F9B];
	s0 =	simm.s32 @p0 $0x1  }
0x13: {  	[smem:$0x3FB6] =	sst s0;
	s0 =	simm.s32 @!p1 $0x0  }
0x14: {  	s2 =	sld [smem:$0x3F9A];
	s0 =	simm.s32 @p1 $0x1  }
0x15: {  	[smem:$0x3FB7] =	sst s0;
	s0 =	simm.s32 @!p2 $0x0  }
0x16: {  	s3 =	sld [smem:$0x3FDB];
	s0 =	simm.s32 @p2 $0x1  }
0x17: {  	s4 =	simm.s32 $0x1BF5;
	[smem:$0x3FB9] =	sst s0  }
0x18: {  	s0 =	sld [smem:$0x3F9C];
	_ =	swait.ge [sflag:s4], $0x0  }
0x19: {  	s7 =	sld [smem:$0x3F9D]  }
0x1a: {  	s8 =	sadd.s32 $0xFFFFE003, lr  }
0x1b: {  	s9 =	sadd.s32 $0xFFFFFEF7, lr;
	s5 =	simm.s32 $0xFFFFFFFF;
	p2 =	slt.u32 s8, $0xFFFFF086  }
0x1c: {  	p1 =	slt.u32 s9, $0xF7A;
	s5 =	simm.s32 @!p2 $0x0  }
0x1d: {  	s5 =	simm.s32 @p1 $0x1;
	p0 =	seq.s32 s7, s2  }
0x1e: {  	s7 =	smul.u32 @!p0 $0xF7A, s2;
	p2 =	seq.s32 @!p0 s5, $0x0  }
0x1f: {  	s9 =	smul.u32 $0xF7A, s1;
	s8 =	simm.s32 @!p0 $0x1BF5;
	p2 =	por !p2, p0  }
0x20: {  	[sflag:s8] =	ssyncset.s32 @!p0 $0xFFFFF086;
	s6 =	sadd.s32 @!p0 s3, s7;
	s7 =	simm.s32 @!p0 $0x108  }
0x21: {  	s3 =	sadd.s32 s3, s9;
	s6 =	sadd.s32 @!p0 $0x88, s6;
	s7 =	simm.s32 @p2 $0x1082  }
0x22: {  	[simem:s7], [sflag:s8] =	dma.local @!p0 [hbm:s6], $0xF7A  }
0x23: {  	s9 =	sor.u32 $0xD0000000, s2;
	s6 =	simm.s32 $0x108;
	_ =	swait.ge @!p0 [sflag:s8], $0x0  }
0x24: {  	s3 =	sadd.s32 $0x88, s3;
	s6 =	simm.s32 @!p1 $0x1082;
	[sflag:s4] =	ssyncset.s32 $0xFFFFF086  }
0x25: {  	[simem:s6], [sflag:s4] =	dma.local [hbm:s3], $0xF7A  }
0x26: {  	[smem:$0x3F9D] =	sst s1;
	(tag) =	ssettag s2;
	_ =	strace s9  }
0x27: {  	s1 =	sld [smem:$0x3FAD]  }
0x28: {  	s2 =	sld [smem:$0x3FAE]  }
0x29: {  	s4 =	sld [smem:$0x3FB0]  }
0x2a: {  	p0 =	seq.s32 s5, $0x0;
	s5 =	sld [smem:$0x3FB1]  }
0x2b: {  	s6 =	sld [smem:$0x3FB2]  }
0x2c: {  	s7 =	sld [smem:$0x3FB3]  }
0x2d: {  	s3 =	simm.s32 $0x108;
	s8 =	sld [smem:$0x3FB4]  }
0x2e: {  	s3 =	simm.s32 @!p0 $0x1082;
	s9 =	sld [smem:$0x3FB5]  }
0x2f: {  	lr =	sadd.s32 s0, s3;
	s0 =	sld [smem:$0x3FAC]  }
0x30: {  	s3 =	sld [smem:$0x3FAF]  }
0x31: {  	[smem:$0x3FB8] =	sst s10  }
0x32: {  	s10 =	sld [smem:$0x3FB6];
	_ =	sdelay $0x3  }
0x33: {  	p0 =	seq.s32 s10, $0x1;
	s10 =	sld [smem:$0x3FB8];
	_ =	sdelay $0x3  }
0x34: {  	[smem:$0x3FB8] =	sst s10  }
0x35: {  	s10 =	sld [smem:$0x3FB7];
	_ =	sdelay $0x3  }
0x36: {  	p1 =	seq.s32 s10, $0x1;
	s10 =	sld [smem:$0x3FB8];
	_ =	sdelay $0x3  }
0x37: {  	[smem:$0x3FB8] =	sst s10  }
0x38: {  	s10 =	sld [smem:$0x3FB9]  }
0x39: {  	_ = 	snop;
	(pc) =	sbr.ind lr, $3  }
0x3a: {  	_ = 	snop  }
0x3b: {  	_ = 	snop  }
0x3c: {  	p2 =	seq.s32 s10, $0x1;
	s10 =	sld [smem:$0x3FB8]  }
0x3d: {  	_ =	shalt  }
0x3e: {  	_ =	shalt  }
0x3f: {  	_ =	shalt  }
0x40: {  	_ =	shalt  }
0x41: {  	_ =	shalt  }
0x42: {  	_ =	shalt  }
0x43: {  	_ =	shalt  }
0x44: {  	_ =	shalt  }
0x45: {  	_ =	shalt  }
0x46: {  	_ =	shalt  }
0x47: {  	_ =	shalt  }
0x48: {  	_ =	shalt  }
0x49: {  	_ =	shalt  }
0x4a: {  	_ =	shalt  }
0x4b: {  	_ =	shalt  }
0x4c: {  	_ =	shalt  }
0x4d: {  	_ =	shalt  }
0x4e: {  	_ =	shalt  }
0x4f: {  	_ =	shalt  }
0x50: {  	_ =	shalt  }
0x51: {  	_ =	shalt  }
0x52: {  	_ =	shalt  }
0x53: {  	_ =	shalt  }
0x54: {  	_ =	shalt  }
0x55: {  	_ =	shalt  }
0x56: {  	_ =	shalt  }
0x57: {  	_ =	shalt  }
0x58: {  	_ =	shalt  }
0x59: {  	_ =	shalt  }
0x5a: {  	_ =	shalt  }
0x5b: {  	_ =	shalt  }
0x5c: {  	_ =	shalt  }
0x5d: {  	_ =	shalt  }
0x5e: {  	_ =	shalt  }
0x5f: {  	_ =	shalt  }
0x60: {  	_ =	shalt  }
0x61: {  	_ =	shalt  }
0x62: {  	_ =	shalt  }
0x63: {  	_ =	shalt  }
0x64: {  	_ =	shalt  }
0x65: {  	_ =	shalt  }
0x66: {  	_ =	shalt  }
0x67: {  	_ =	shalt  }
0x68: {  	_ =	shalt  }
0x69: {  	_ =	shalt  }
0x6a: {  	_ =	shalt  }
0x6b: {  	_ =	shalt  }
0x6c: {  	_ =	shalt  }
0x6d: {  	_ =	shalt  }
0x6e: {  	_ =	shalt  }
0x6f: {  	_ =	shalt  }
0x70: {  	_ =	shalt  }
0x71: {  	_ =	shalt  }
0x72: {  	_ =	shalt  }
0x73: {  	_ =	shalt  }
0x74: {  	_ =	shalt  }
0x75: {  	_ =	shalt  }
0x76: {  	_ =	shalt  }
0x77: {  	_ =	shalt  }
0x78: {  	_ =	shalt  }
0x79: {  	_ =	shalt  }
0x7a: {  	_ =	shalt  }
0x7b: {  	_ =	shalt  }
0x7c: {  	_ =	shalt  }
0x7d: {  	_ =	shalt  }
0x7e: {  	_ =	shalt  }
0x7f: {  	_ =	shalt  }
0x80: {  	_ =	shalt  }
0x81: {  	_ =	shalt  }
0x82: {  	_ =	shalt  }
0x83: {  	_ =	shalt  }
0x84: {  	_ =	shalt  }
0x85: {  	_ =	shalt  }
0x86: {  	_ =	shalt  }
0x87: {  	_ =	shalt  }
.Lfunc_end0:
.L_simem_size_0:
called_computation_lowered:
.L_overlay_start_0:
0x88: {  	s2 =	sld [smem:$0x3FD9]  }
0x89: {  	s3 =	sld [smem:$0x3FFE];
	_ =	sdelay $0x1  }
0x8a: {  	s1 =	srdreg.scid  }
0x8b: {  	s0 =	sand.u32 $0x1, s1  }
0x8c: {  	s17 =	sshll.u32 s0, $0xA;
	s2 =	sadd.s32 s3, s2  }
0x8d: {  	s2 =	sadd.s32 s2, s17  }
0x8e: {  	[smem:$0x3FC4] =	sst s2  }
0x8f: {  	_ = 	snop  }
0x90: {  	s2 =	sld [smem:$0x3FD0];
	(tm) =	ssettm $0x1  }
0x91: {  	s18 =	sld [smem:$0x3FFB];
	_ =	sdelay $0x3  }
0x92: {  	_ =	strace s18  }
0x93: {  	s3 =	sld [smem:$0x3FFC];
	_ =	sdelay $0x3  }
0x94: {  	_ =	strace s3  }
0x95: {  	s3 =	sld [smem:$0x3FFD];
	_ =	sdelay $0x3  }
0x96: {  	_ =	strace s3  }
0x97: {  	_ =	strace $0x8FFFFFFF  }
0x98: {  	s19 =	sld [smem:$0x3FDB];
	_ =	sdelay $0x1  }
0x99: {  	s4 =	simm.s32 $_scs_section_size  }
0x9a: {  	s5 =	simm.s32 $_size__tile_overlayer_lowered;
	s6 =	simm.s32 $_tile_overlayer_lowered  }
0x9b: {  	s22 =	simm.s32 $0x1BFF;
	s21 =	sshll.u32 s6, $0x1;
	s3 =	sadd.s32 s4, s19  }
0x9c: {  	s7 =	simm.s32 $0x0;
	s20 =	sshll.u32 s5, $0x1;
	s5 =	sadd.s32 s21, s3  }
0x9d: {  	[timem:s7], [sflag:s22] =	dma.local [hbm:s5], s20  }
0x9e: {  	_ =	swait.ge [sflag:s22], s20  }
0x9f: {  	s4 =	ssub.s32 $0x0, s20;
	[sflag:s22] =	ssyncset.done $0x0  }
0xa0: {  	[sflag:s22] =	ssyncadd.s32 s4;
	_ =	sdelay $0x1  }
0xa1: {  	s23 =	simm.s32 $0x1B8B  }
0xa2: {  	_ =	swait.ge [sflag:s23], $0x1  }
0xa3: {  	[sflag:s23] =	ssyncset.done $0x0  }
0xa4: {  	s25 =	simm.s32 $0x1B8E;
	s24 =	sld [smem:$0x3FFE];
	[sflag:s23] =	ssyncadd.s32 $0xFFFFFFFF  }
0xa5: {  	s26 =	simm.s32 $execute0_lowered;
	[smem:$0x3FD2] =	sst s25  }
0xa6: {  	s5 =	sshll.u32 s26, $0x1;
	_ =	strace $0x80000046;
	[dreg:$0x1] =	wrdreg $0xFFFFFFFF  }
0xa7: {  	s28 =	simm.s32 $_size_execute0_lowered;
	s3 =	sadd.s32 s3, s5;
	[dreg:$0x0] =	wrdreg $0x0  }
0xa8: {  	s5 =	sshll.u32 s28, $0x1;
	[dreg:$0x2] =	wrdreg s3  }
0xa9: {  	[dreg:$0x3] =	wrdreg s5  }
0xaa: {  	[dreg:$0x4] =	wrdreg $0xC0  }
0xab: {  	_ =	task [dreg:s7], $0x5FFFF  }
0xac: {  	[dreg:$0x1] =	wrdreg $0xFFFFFFFF  }
0xad: {  	[dreg:$0x0] =	wrdreg $0x60  }
0xae: {  	[dreg:$0x2] =	wrdreg s24  }
0xaf: {  	[dreg:$0x3] =	wrdreg s2  }
0xb0: {  	[dreg:$0x4] =	wrdreg $0x9  }
0xb1: {  	_ =	task.clear_ibuf [dreg:s7], $0x5FFFF;
	_ =	strace $0x90000046  }
0xb2: {  	s29 =	simm.s32 $0x9;
	_ =	strace $0x80000048  }
0xb3: {  	_ =	swait.ge [sflag:s29], $0x1  }
0xb4: {  	[sflag:s29] =	ssyncadd.s32 $0xFFFFFFFF  }
0xb5: {  	_ =	strace $0x90000048  }
0xb6: {  	_ =	sfence  }
0xb7: {  	s30 =	sld [smem:$0x0];
	_ =	sdelay $0x2  }
0xb8: {  	s31 =	sshll.u32 s1, $0xD;
	s1 =	sshrl.u32 s1, $0x2  }
0xb9: {  	s3 =	sand.u32 $0x4000, s31;
	s1 =	sadd.s32 s1, s30  }
0xba: {  	s0 =	sor.u32 s3, s0;
	s1 =	sshll.u32 s1, $0x11  }
0xbb: {  	s0 =	sor.u32 s1, s0  }
0xbc: {  	s0 =	sadd.s32 $0x8F2B, s0  }
0xbd: {  	[sflag:s0] =	ssyncadd.remote.s32 $0x1  }
0xbe: {  	_ =	sfence.sel $0xFFFF  }
0xbf: {  	[dreg:$0x0] =	wrdreg $0xFFFFFFFF;
	(pc) =	sbr.abs _section_cstart, $3  }
0xc0: {  	[dreg:$0x1] =	wrdreg $0xFFFFFFFF  }
0xc1: {  	_ =	task.clear_ibuf [dreg:s7], $0x2FFFF;
	_ =	strace $0x9FFFFFFF  }
0xc2: {  	(tm) =	ssettm $0x7FFFFFFF  }
0xc3: {  	_ =	shalt  }
tec
execute0_lowered:
.L_overlay_start_1:
0x0: {  	(tag) =	ssettag $0x1  }
0x1: {  	v0 =	vimm.s32 $0xC080400;
	vm1 =	vcmask $0xF00  }
0x2: {  	v1 =	vimm.s32 $0x1C181410;
	vm3 =	vcmask $0x1F10;
	v2 =	vimm.s32 $0x2C282420  }
0x3: {  	v3 =	vimm.s32 $0xD090501;
	v4 =	vimm.s32 $0x1D191511;
	vm4 =	vcmask $0x2F20  }
0x4: {  	vm0 =	vcmask $0x3330;
	v55 =	vimm.s32 $0xE0A0602;
	v5 =	vimm.s32 $0x2E2A2622  }
0x5: {  	v6 =	vimm.s32 $0xF0B0703;
	vm5 =	vcmask $0x704;
	vm2 =	vcmask $0xB08  }
0x6: {  	vm6 =	vcmask $0xF0C;
	v0 =	vunpack.c.0.s8.s32 v0;
	v3 =	vunpack.c.0.s8.s32 v3  }
0x7: {  	v1 =	vunpack.c.0.s8.s32 v1;
	v2 =	vunpack.c.0.s8.s32 v2;
	v53 =	vunpack.c.0.s8.s32 v4  }
0x8: {  	v0 =	vnsel vm1, $0x34, v0;
	v54 =	vnsel vm1, $0x35, v3;
	v3 =	vimm.s32 $0x2D292521  }
0x9: {  	v4 =	vimm.s32 $0x1E1A1612;
	v0 =	vsel vm3, v1, v0;
	v3 =	vunpack.c.0.s8.s32 v3  }
0xa: {  	v1 =	vsel vm3, v53, v54;
	v0 =	vsel vm4, v2, v0;
	v2 =	vunpack.c.0.s8.s32 v55  }
0xb: {  	v4 =	vunpack.c.0.s8.s32 v4;
	v1 =	vsel vm4, v3, v1;
	v3 =	vunpack.c.0.s8.s32 v6  }
0xc: {  	vm9 =	vcmask $0x1714;
	v5 =	vunpack.c.0.s8.s32 v5;
	v2 =	vnsel vm1, $0x36, v2  }
0xd: {  	v2 =	vsel vm3, v4, v2;
	v3 =	vnsel vm1, $0x37, v3;
	v4 =	vimm.s32 $0x1F1B1713  }
0xe: {  	vm1 =	vcmask $0x300;
	v2 =	vsel vm4, v5, v2;
	v5 =	vimm.s32 $0x5B00  }
0xf: {  	vm7 =	vcmask $0x1F1C;
	v4 =	vunpack.c.0.s8.s32 v4;
	v5 =	vsel vm1, $0x0, v5  }
0x10: {  	vm8 =	vcmask $0x2724;
	v6 =	vimm.s32 $0x2F2B2723;
	v5 =	vsel vm5, $0x700, v5  }
0x11: {  	v6 =	vunpack.c.0.s8.s32 v6;
	v3 =	vsel vm3, v4, v3;
	v4 =	vsel vm2, $0xE00, v5  }
0x12: {  	vm10 =	vcmask $0x2F2C;
	vm3 =	vcmask $0x1310;
	v4 =	vsel vm6, $0x1500, v4  }
0x13: {  	v3 =	vsel vm4, v6, v3;
	v5 =	vimm.s32 $0xBD00;
	v4 =	vsel vm3, $0x1C00, v4  }
0x14: {  	vm4 =	vcmask $0x1B18;
	v5 =	vsel vm1, $0x6200, v5;
	v4 =	vsel vm9, $0x2300, v4  }
0x15: {  	s0 =	rddreg [dreg:$0x0];
	v61 =	vlaneseq.u32;
	v5 =	vsel vm5, $0x6900, v5;
	v4 =	vsel vm4, $0x2A00, v4  }
0x16: {  	s1 =	srdreg.scid;
	s2 =	stileid.u32;
	s3 =	simm.s32 $0x0;
	vm5 =	vcmask $0x2320;
	v5 =	vsel vm2, $0x7000, v5;
	v4 =	vsel vm7, $0x3100, v4  }
0x17: {  	s11 =	simm.s32 $0x13800;
	s12 =	simm.s32 $0x14000;
	s13 =	simm.s32 $0x12800;
	v62 =	vmul.u32 $0x2, v61;
	v5 =	vsel vm6, $0x7700, v5;
	v4 =	vsel vm5, $0x3800, v4  }
0x18: {  	s28 =	simm.s32 $0x5B00;
	s1 =	sand.u32 $0x1, s1;
	s2 =	sshll.u32 s2, $0x1;
	vm6 =	vcmask $0x2B28;
	v5 =	vsel vm3, $0x7E00, v5;
	v4 =	vsel vm8, $0x3F00, v4  }
0x19: {  	s30 =	simm.s32 $0x6400;
	s6 =	sadd.s32 $0xA86200, s0;
	s2 =	sor.u32 s1, s2;
	v0 =	vsel vm0, $0x30, v0;
	v5 =	vsel vm9, $0x8500, v5;
	v4 =	vsel vm6, $0x4600, v4  }
0x1a: {  	[smem:$0x7FF] =	sst s3;
	s5 =	sshll.u32 s2, $0x9;
	[tilespmem:$0x1FF80] =	vst v0;
	v56 =	vsel vm0, $0x31, v1;
	v6 =	vsel vm10, $0x4D00, v4;
	v4 =	vsel vm4, $0x8C00, v5  }
0x1b: {  	s4 =	sadd.s32 $0x6200, s0;
	s1 =	ssub.s32 $0x2, s1;
	s5 =	sadd.s32 s5, s0;
	[tilespmem:$0x1FF90] =	vst v56;
	v57 =	vsel vm0, $0x32, v2;
	v5 =	vimm.s32 $0xECA86420;
	v7 =	vsel vm7, $0x9300, v4  }
0x1c: {  	v59 =	vimm.f32 $0.0e+00;
	s8 =	sadd.s32 $0x6300, s0;
	s24 =	sshrl.u32 s1, $0x1;
	s25 =	sadd.s32 $0x2200, s5;
	[tilespmem:$0x1FFA0] =	vst v57;
	v8 =	vunpack.c.l.s4.s8 v5;
	v7 =	vsel vm5, $0x9A00, v7  }
0x1d: {  	s29 =	simm.s32 $0x1;
	s1 =	ssub.s32 s1, s24;
	_ =	strace $0x80000047;
	[tilespmem:$0x1FFE0] =	vst v62;
	v58 =	vsel vm0, $0x33, v3;
	vm9 =	vcmask $0x3700;
	v9 =	vsel vm8, $0xA100, v7  }
0x1e: {  	s31 =	smax.u32 s1, $0x1;
	[dreg:$0x3] =	wrdreg s6;
	s6 =	sshll.u32 s2, $0x5;
	[tilespmem:$0x1FFB0] =	vst v58;
	v0 =	vsel vm9, $0x3F800000, v59;
	v60 =	vunpack.c.0.s8.s32 v8;
	v9 =	vsel vm6, $0xA800, v9  }
0x1f: {  	s1 =	simm.s32 $0x2;
	[dreg:$0x4] =	wrdreg s25;
	s7 =	sadd.s32 s6, s0;
	[tilespmem:$0x1FFC0] =	vst v0;
	v10 =	vsel vm10, $0xAF00, v9  }
0x20: {  	[dreg:$0x6] =	wrdreg s31;
	s25 =	simm.s32 $0x4D00;
	s26 =	sadd.s32 $0xA86400, s7;
	[tilespmem:$0x1FFD0] =	vst v60;
	v63 =	vsel vm0, $0xB600, v10  }
0x21: {  	s2 =	simm.s32 $0x0;
	[dreg:$0x5] =	wrdreg s26;
	s26 =	simm.s32 $0x5400;
	v5 =	vsel vm0, $0x5400, v6;
	vm7 =	vcmask $0x3B38;
	vm8 =	vmmov $0xff;
	[tilespmem:$0x1FFF0] =	vst v63  }
.LBB2_1:
0x22: {  	[dreg:$0x7] =	wrdreg s2  }
0x23: {  	s0 =	rddreg [dreg:$0x3]  }
0x24: {  	[tilespmem:s11], [sflag:$0x2] =	stream.linear.gather [hbm4b:s0+s3], $0x700, $0x38;
	[tilespmem:$0x14180] =	vst v63  }
0x25: {  	_ =	swait.ge [sflag:s1], $0x700  }
0x26: {  	[sflag:s1] =	ssyncset.done $0x0  }
0x27: {  	[sflag:s1] =	ssyncadd.s32 $0xFFFFF900  }
0x28: {  	s24 =	rddreg [dreg:$0x1]  }
0x29: {  	[tilespmem:s12], [sflag:$0x2] =	stream.linear.gather [hbm4b:s24+s3], $0x80, $0x38;
	[tilespmem:$0x14180] =	vst v63  }
0x2a: {  	_ =	swait.ge [sflag:s1], $0x80  }
0x2b: {  	[sflag:s1] =	ssyncset.done $0x0  }
0x2c: {  	s31 =	rddreg [dreg:$0x4];
	[sflag:s1] =	ssyncadd.s32 $0xFFFFFF80  }
0x2d: {  	[tilespmem:s13], [sflag:$0x2] =	stream.linear.gather [hbm4b:s31+s3], $0x1000, $0x38;
	[tilespmem:$0x14180] =	vst v63  }
0x2e: {  	_ =	swait.ge [sflag:s1], $0x1000  }
0x2f: {  	[sflag:s1] =	ssyncset.done $0x0  }
0x30: {  	v12 =	vimm.f32 $0.0e+00;
	v13 =	vimm.f32 $0.0e+00;
	v11 =	vimm.f32 $0.0e+00;
	s2 =	simm.s32 $0x0;
	[sflag:s1] =	ssyncadd.s32 $0xFFFFF000  }
.LBB2_2:
0x31: {  	s1 =	sor.u32 s6, s2  }
0x32: {  	s1 =	smul.u32 $0x7000, s1;
	_ =	sdelay $0x1  }
0x33: {  	s5 =	sshrl.u32 s1, $0x3  }
0x34: {  	s1 =	simm.s32 $0x0;
	s7 =	sadd.s32 s4, s5  }
0x35: {  	[tilespmem:s1], [sflag:$0x1] =	stream.linear.gather [hbm4b:s7+s1], $0x700, $0x38;
	[tilespmem:$0x14180] =	vst v63  }
0x36: {  	s0 =	simm.s32 $0x700;
	s5 =	sadd.s32 s5, s8  }
0x37: {  	[tilespmem:s0], [sflag:$0x1] =	stream.linear.gather [hbm4b:s5+s1], $0x700, $0x38;
	[tilespmem:$0x14180] =	vst v63  }
0x38: {  	s18 =	simm.s32 $0xE00;
	s17 =	sadd.s32 $0x200, s7  }
0x39: {  	[tilespmem:s18], [sflag:$0x1] =	stream.linear.gather [hbm4b:s17+s1], $0x700, $0x38;
	[tilespmem:$0x14180] =	vst v63  }
0x3a: {  	s20 =	simm.s32 $0x1500;
	s19 =	sadd.s32 $0x300, s7  }
0x3b: {  	[tilespmem:s20], [sflag:$0x1] =	stream.linear.gather [hbm4b:s19+s1], $0x700, $0x38;
	[tilespmem:$0x14180] =	vst v63  }
0x3c: {  	s22 =	simm.s32 $0x1C00;
	s21 =	sadd.s32 $0x400, s7  }
0x3d: {  	[tilespmem:s22], [sflag:$0x1] =	stream.linear.gather [hbm4b:s21+s1], $0x700, $0x38;
	[tilespmem:$0x14180] =	vst v63  }
0x3e: {  	s24 =	simm.s32 $0x2300;
	s23 =	sadd.s32 $0x500, s7  }
0x3f: {  	[tilespmem:s24], [sflag:$0x1] =	stream.linear.gather [hbm4b:s23+s1], $0x700, $0x38;
	[tilespmem:$0x14180] =	vst v63  }
0x40: {  	s10 =	simm.s32 $0x2A00;
	s9 =	sadd.s32 $0x600, s7  }
0x41: {  	[tilespmem:s10], [sflag:$0x1] =	stream.linear.gather [hbm4b:s9+s1], $0x700, $0x38;
	[tilespmem:$0x14180] =	vst v63  }
0x42: {  	s15 =	simm.s32 $0x3100;
	s14 =	sadd.s32 $0x700, s7  }
0x43: {  	[tilespmem:s15], [sflag:$0x1] =	stream.linear.gather [hbm4b:s14+s1], $0x700, $0x38;
	[tilespmem:$0x14180] =	vst v63  }
0x44: {  	s16 =	sadd.s32 $0x800, s7;
	s17 =	simm.s32 $0x3800  }
0x45: {  	[tilespmem:s17], [sflag:$0x1] =	stream.linear.gather [hbm4b:s16+s1], $0x700, $0x38;
	[tilespmem:$0x14180] =	vst v63  }
0x46: {  	v0 =	vld [tilespmem:$0x1FF80];
	s18 =	sadd.s32 $0x900, s7;
	s19 =	simm.s32 $0x3F00  }
0x47: {  	[tilespmem:s19], [sflag:$0x1] =	stream.linear.gather [hbm4b:s18+s1], $0x700, $0x38;
	[tilespmem:$0x14180] =	vst v63  }
0x48: {  	s20 =	sadd.s32 $0xA00, s7;
	s21 =	simm.s32 $0x4600  }
0x49: {  	[tilespmem:s21], [sflag:$0x1] =	stream.linear.gather [hbm4b:s20+s1], $0x700, $0x38;
	[tilespmem:$0x14180] =	vst v63  }
0x4a: {  	s31 =	sshll.u32 s2, $0x7;
	s22 =	sadd.s32 $0xB00, s7  }
0x4b: {  	v14 =	vor.u32 s31, v0;
	[tilespmem:s25], [sflag:$0x1] =	stream.linear.gather [hbm4b:s22+s1], $0x700, $0x38;
	[tilespmem:$0x14180] =	vst v63  }
0x4c: {  	s23 =	sadd.s32 $0xC00, s7  }
0x4d: {  	[tilespmem:s26], [sflag:$0x1] =	stream.linear.gather [hbm4b:s23+s1], $0x700, $0x38;
	[tilespmem:$0x14180] =	vst v63  }
0x4e: {  	s24 =	sadd.s32 $0xD00, s7  }
0x4f: {  	[tilespmem:s28], [sflag:$0x1] =	stream.linear.gather [hbm4b:s24+s1], $0x700, $0x38;
	[tilespmem:$0x14180] =	vst v63  }
0x50: {  	v0 =	vld.idx.msk [tilespmem:v14+s13+$0x0], $0xffff;
	_ =	sdelay $0x4  }
0x51: {  	v56 =	vld [tilespmem:$0x1FF90];
	v15 =	vmul.f32 $1.400000000e+01, v0  }
0x52: {  	v57 =	vld [tilespmem:$0x1FFA0]  }
0x53: {  	v58 =	vld [tilespmem:$0x1FFB0];
	v15 =	vtrunc.f32 v15  }
0x54: {  	v15 =	vcvt.f32.s32 v15;
	_ =	sdelay $0x1  }
0x55: {  	v16 =	vor.u32 s31, v56;
	vm9 =	vgt.s32 v15, $0x0  }
0x56: {  	v18 =	vor.u32 s31, v57;
	v15 =	vnsel vm9, $0x0, v15  }
0x57: {  	v19 =	vor.u32 s31, v58;
	v59 =	vmin.u32 v15, $0xD  }
0x58: {  	v20 =	vshll.u32 v59, $0x7  }
0x59: {  	v22 =	vor.u32 $0x1, v20  }
0x5a: {  	v60 =	vld.idx.msk [tilespmem:v16+s13+$0x0], $0xffff;
	v23 =	vor.u32 $0x2, v20  }
0x5b: {  	v1 =	vld.idx.msk [tilespmem:v18+s13+$0x0], $0xffff;
	v24 =	vor.u32 $0x3, v20  }
0x5c: {  	v61 =	vld.idx.msk [tilespmem:v19+s13+$0x0], $0xffff;
	v19 =	vor.u32 $0x4, v20  }
0x5d: {  	v26 =	vor.u32 $0x5, v20;
	v21 =	vld.idx.msk [tilespmem:v20+s11+$0x0], $0xffff  }
0x5e: {  	v27 =	vor.u32 $0x6, v20;
	v22 =	vld.idx.msk [tilespmem:v22+s11+$0x0], $0xffff  }
0x5f: {  	v28 =	vor.u32 $0x7, v20;
	v23 =	vld.idx.msk [tilespmem:v23+s11+$0x0], $0xffff  }
0x60: {  	v29 =	vor.u32 $0x8, v20;
	v24 =	vld.idx.msk [tilespmem:v24+s11+$0x0], $0xffff  }
0x61: {  	v31 =	vor.u32 $0xA, v20;
	v25 =	vld.idx.msk [tilespmem:v19+s11+$0x0], $0xffff  }
0x62: {  	v32 =	vor.u32 $0xB, v20;
	v26 =	vld.idx.msk [tilespmem:v26+s11+$0x0], $0xffff  }
0x63: {  	v33 =	vor.u32 $0xC, v20;
	v27 =	vld.idx.msk [tilespmem:v27+s11+$0x0], $0xffff  }
0x64: {  	v19 =	vor.u32 $0x9, v20;
	v28 =	vld.idx.msk [tilespmem:v28+s11+$0x0], $0xffff  }
0x65: {  	v29 =	vld.idx.msk [tilespmem:v29+s11+$0x0], $0xffff;
	v20 =	vor.u32 $0xD, v20  }
0x66: {  	[tilespmem:$0x1FF30] =	vst v0;
	v31 =	vld.idx.msk [tilespmem:v31+s11+$0x0], $0xffff  }
0x67: {  	[tilespmem:$0x1FF50] =	vst v1;
	v32 =	vld.idx.msk [tilespmem:v32+s11+$0x0], $0xffff  }
0x68: {  	[tilespmem:$0x1FF60] =	vst v61;
	v33 =	vld.idx.msk [tilespmem:v33+s11+$0x0], $0xffff  }
0x69: {  	[tilespmem:$0x1FF40] =	vst v59;
	v30 =	vld.idx.msk [tilespmem:v19+s11+$0x0], $0xffff  }
0x6a: {  	v34 =	vld.idx.msk [tilespmem:v20+s11+$0x0], $0xffff;
	_ =	swait.ge [sflag:s29], $0x700  }
0x6b: {  	[sflag:s29] =	ssyncset.done $0x0  }
0x6c: {  	[sflag:s29] =	ssyncadd.s32 $0xFFFFF900  }
0x6d: {  	_ =	swait.ge [sflag:s29], $0x700  }
0x6e: {  	[sflag:s29] =	ssyncset.done $0x0  }
0x6f: {  	[sflag:s29] =	ssyncadd.s32 $0xFFFFF900  }
0x70: {  	_ =	swait.ge [sflag:s29], $0x700  }
0x71: {  	[sflag:s29] =	ssyncset.done $0x0  }
0x72: {  	[sflag:s29] =	ssyncadd.s32 $0xFFFFF900  }
0x73: {  	_ =	swait.ge [sflag:s29], $0x700  }
0x74: {  	[sflag:s29] =	ssyncset.done $0x0  }
0x75: {  	[sflag:s29] =	ssyncadd.s32 $0xFFFFF900  }
0x76: {  	_ =	swait.ge [sflag:s29], $0x700  }
0x77: {  	[sflag:s29] =	ssyncset.done $0x0  }
0x78: {  	[sflag:s29] =	ssyncadd.s32 $0xFFFFF900  }
0x79: {  	_ =	swait.ge [sflag:s29], $0x700  }
0x7a: {  	[sflag:s29] =	ssyncset.done $0x0  }
0x7b: {  	[sflag:s29] =	ssyncadd.s32 $0xFFFFF900  }
0x7c: {  	_ =	swait.ge [sflag:s29], $0x700  }
0x7d: {  	[sflag:s29] =	ssyncset.done $0x0  }
0x7e: {  	[sflag:s29] =	ssyncadd.s32 $0xFFFFF900  }
0x7f: {  	_ =	swait.ge [sflag:s29], $0x700  }
0x80: {  	[sflag:s29] =	ssyncset.done $0x0  }
0x81: {  	[sflag:s29] =	ssyncadd.s32 $0xFFFFF900  }
0x82: {  	_ =	swait.ge [sflag:s29], $0x700  }
0x83: {  	[sflag:s29] =	ssyncset.done $0x0  }
0x84: {  	[sflag:s29] =	ssyncadd.s32 $0xFFFFF900  }
0x85: {  	_ =	swait.ge [sflag:s29], $0x700  }
0x86: {  	[sflag:s29] =	ssyncset.done $0x0  }
0x87: {  	v19 =	vmul.f32 $1.400000000e+01, v60;
	[tilespmem:$0x1FF70] =	vst v60;
	[sflag:s29] =	ssyncadd.s32 $0xFFFFF900  }
0x88: {  	_ =	swait.ge [sflag:s29], $0x700  }
0x89: {  	v19 =	vtrunc.f32 v19;
	[sflag:s29] =	ssyncset.done $0x0  }
0x8a: {  	v19 =	vcvt.f32.s32 v19;
	[sflag:s29] =	ssyncadd.s32 $0xFFFFF900  }
0x8b: {  	_ =	swait.ge [sflag:s29], $0x700  }
0x8c: {  	vm9 =	vgt.s32 v19, $0x0;
	[sflag:s29] =	ssyncset.done $0x0  }
0x8d: {  	v19 =	vnsel vm9, $0x0, v19;
	[sflag:s29] =	ssyncadd.s32 $0xFFFFF900  }
0x8e: {  	v35 =	vmov s1;
	v19 =	vmin.u32 v19, $0xD;
	_ =	swait.ge [sflag:s29], $0x700  }
0x8f: {  	v36 =	vshll.u32 v35, $0x7;
	v20 =	vshll.u32 v19, $0x7;
	[sflag:s29] =	ssyncset.done $0x0  }
0x90: {  	v36 =	vadd.s32 v5, v36;
	[sflag:s29] =	ssyncadd.s32 $0xFFFFF900  }
0x91: {  	_ =	swait.ge [sflag:s29], $0x700  }
0x92: {  	[sflag:s29] =	ssyncset.done $0x0  }
0x93: {  	v46 =	vor.u32 $0x5, v36;
	[sflag:s29] =	ssyncadd.s32 $0xFFFFF900  }
0x94: {  	v43 =	vimm.s32 $0x0;
	v42 =	vmov s1;
	v38 =	vor.u32 $0x1, v36;
	v40 =	vld.idx.msk [tilespmem:v20+s11+$0x0], $0xffff  }
0x95: {  	v44 =	vimm.f32 $-1.000000000e+00;
	v51 =	vor.u32 $0x1, v42;
	v41 =	vor.u32 $0x2, v36;
	v39 =	vld.idx.msk [tilespmem:v36+s3+$0x0], $0xffff  }
0x96: {  	v45 =	vor.u32 $0x4, v36;
	v47 =	vor.u32 $0xC, v36;
	v48 =	vor.u32 $0x3, v36  }
0x97: {  	v63 =	vor.u32 $0x7, v36;
	v54 =	vor.u32 $0x6, v36;
	v56 =	vor.u32 $0x8, v36  }
0x98: {  	v57 =	vor.u32 $0xA, v36;
	v52 =	vor.u32 $0xD, v36;
	v1 =	vadd.s32 $0x2, v42;
	v46 =	vld.idx.msk [tilespmem:v46+s3+$0x0], $0xffff  }
0x99: {  	v61 =	vadd.s32 $0x3, v42;
	vm9 =	veq.s32 v35, $0x0;
	v37 =	vor.u32 $0x1, v20;
	v38 =	vld.idx.msk [tilespmem:v38+s3+$0x0], $0xffff  }
0x9a: {  	v60 =	vor.u32 $0xB, v36;
	v49 =	vmul.f32 v40, v21;
	v62 =	vmul.f32 v39, v39  }
0x9b: {  	v20 =	vimm.f32 $0.0e+00;
	v50 =	vmul.f32 v40, v22;
	v0 =	vmul.f32 v40, v23  }
0x9c: {  	v41 =	vld.idx.msk [tilespmem:v41+s3+$0x0], $0xffff;
	vm10 =	vgt.f32 v39, v44;
	v2 =	vmul.f32 v40, v24;
	v55 =	vmul.f32 v40, v25  }
0x9d: {  	v58 =	vmul.f32 v40, v26;
	v59 =	vmul.f32 v46, v46;
	v44 =	vsel vm10, v39, v44  }
0x9e: {  	v43 =	vsel vm10, s1, v43;
	v35 =	vadd.f32 v62, v20;
	vm10 =	vgt.f32 v38, v44  }
0x9f: {  	v48 =	vld.idx.msk [tilespmem:v48+s3+$0x0], $0xffff;
	v50 =	vmul.f32 v38, v50;
	v39 =	vmul.f32 v49, v39;
	v62 =	vor.u32 $0x9, v36  }
0xa0: {  	v49 =	vld.idx.msk [tilespmem:v63+s3+$0x0], $0xffff;
	v63 =	vmul.f32 v40, v27;
	v44 =	vsel vm10, v38, v44;
	v38 =	vmul.f32 v38, v38  }
0xa1: {  	v45 =	vld.idx.msk [tilespmem:v45+s3+$0x0], $0xffff;
	v43 =	vsel vm10, v51, v43;
	v51 =	vmul.f32 v41, v0;
	v0 =	vadd.s32 $0x4, v42  }
0xa2: {  	vm10 =	vgt.f32 v41, v44;
	v39 =	vadd.f32 v39, v20;
	v35 =	vadd.f32 v38, v35  }
0xa3: {  	v38 =	vsel vm10, v1, v43;
	v44 =	vsel vm10, v41, v44;
	v41 =	vmul.f32 v41, v41  }
0xa4: {  	v43 =	vmul.f32 v48, v2;
	v2 =	vmul.f32 v40, v28;
	v39 =	vadd.f32 v50, v39  }
0xa5: {  	vm10 =	vgt.f32 v48, v44;
	v50 =	vld.idx.msk [tilespmem:v54+s3+$0x0], $0xffff;
	v54 =	vadd.s32 $0x5, v42;
	v35 =	vadd.f32 v41, v35  }
0xa6: {  	v44 =	vsel vm10, v48, v44;
	v48 =	vmul.f32 v48, v48;
	v41 =	vmul.f32 v45, v55  }
0xa7: {  	v38 =	vsel vm10, v61, v38;
	v55 =	vmul.f32 v40, v29;
	v61 =	vmul.f32 v40, v30  }
0xa8: {  	v39 =	vadd.f32 v51, v39;
	vm11 =	vgt.f32 v45, v44;
	v51 =	vld.idx.msk [tilespmem:v56+s3+$0x0], $0xffff;
	v56 =	vadd.s32 $0x6, v42  }
0xa9: {  	v44 =	vsel vm11, v45, v44;
	v45 =	vmul.f32 v45, v45;
	v35 =	vadd.f32 v48, v35  }
0xaa: {  	v1 =	vsel vm11, v0, v38;
	v38 =	vmul.f32 v49, v2;
	v39 =	vadd.f32 v43, v39  }
0xab: {  	vm12 =	vgt.f32 v46, v44;
	v43 =	vmul.f32 v46, v58;
	v35 =	vadd.f32 v45, v35  }
0xac: {  	v44 =	vsel vm12, v46, v44;
	v45 =	vld.idx.msk [tilespmem:v62+s3+$0x0], $0xffff;
	v36 =	vsel vm12, v54, v1;
	v62 =	vadd.s32 $0x8, v42  }
0xad: {  	v39 =	vadd.f32 v41, v39;
	vm10 =	vgt.f32 v50, v44;
	v41 =	vmul.f32 v50, v63  }
0xae: {  	v63 =	vmul.f32 v40, v31;
	v35 =	vadd.f32 v59, v35;
	v44 =	vsel vm10, v50, v44  }
0xaf: {  	v50 =	vmul.f32 v50, v50;
	v58 =	vmul.f32 v51, v51;
	v36 =	vsel vm10, v56, v36  }
0xb0: {  	v59 =	vadd.s32 $0x7, v42;
	v39 =	vadd.f32 v43, v39;
	vm11 =	vgt.f32 v49, v44  }
0xb1: {  	v57 =	vld.idx.msk [tilespmem:v57+s3+$0x0], $0xffff;
	v53 =	vadd.f32 v50, v35;
	v44 =	vsel vm11, v49, v44;
	v49 =	vmul.f32 v49, v49  }
0xb2: {  	v35 =	vmul.f32 v40, v34;
	v36 =	vsel vm11, v59, v36;
	vm12 =	vgt.f32 v51, v44  }
0xb3: {  	v41 =	vadd.f32 v41, v39;
	v39 =	vld.idx.msk [tilespmem:v60+s3+$0x0], $0xffff;
	v46 =	vmul.f32 v45, v45;
	v44 =	vsel vm12, v51, v44  }
0xb4: {  	v43 =	vadd.f32 v49, v53;
	v53 =	vmul.f32 v51, v55;
	vm10 =	vgt.f32 v45, v44  }
0xb5: {  	v51 =	vsel vm12, v62, v36;
	v36 =	vld.idx.msk [tilespmem:v47+s3+$0x0], $0xffff;
	v47 =	vmul.f32 v45, v61;
	v44 =	vsel vm10, v45, v44  }
0xb6: {  	v60 =	vadd.f32 v38, v41;
	v38 =	vmul.f32 v40, v33;
	vm11 =	vgt.f32 v57, v44  }
0xb7: {  	v41 =	vmul.f32 v40, v32;
	v48 =	vadd.f32 v58, v43;
	v54 =	vsel vm11, v57, v44  }
0xb8: {  	v45 =	vmul.f32 v57, v57;
	v43 =	vld.idx.msk [tilespmem:v52+s3+$0x0], $0xffff;
	v49 =	vadd.f32 v53, v60;
	vm12 =	vgt.f32 v39, v54  }
0xb9: {  	s31 =	simm.s32 $0x1;
	s5 =	simm.s32 $0x0;
	v40 =	vmul.f32 v39, v39;
	v44 =	vmul.f32 v57, v63;
	v50 =	vsel vm12, v39, v54  }
.LBB2_3:
0xba: {  	p0 =	sne.s32 s31, $0xD  }
0xbb: {  	v52 =	vadd.s32 s1, v37;
	v39 =	vmul.f32 v39, v41;
	v41 =	vmul.f32 v36, v36;
	s5 =	sadd.s32 $0xE, s5;
	s1 =	smov.u32 s31;
	s31 =	sadd.s32 $0x1, s31  }
0xbc: {  	v38 =	vmul.f32 v36, v38;
	v47 =	vadd.f32 v47, v49;
	v49 =	vadd.s32 $0xD, v42  }
0xbd: {  	v53 =	vadd.s32 $0xB, v42;
	v54 =	vadd.s32 $0xC, v42;
	v35 =	vmul.f32 v43, v35  }
0xbe: {  	v46 =	vadd.f32 v46, v48;
	v48 =	vadd.s32 $0x9, v42;
	v42 =	vadd.s32 $0xA, v42  }
0xbf: {  	v48 =	vsel vm10, v48, v51;
	v44 =	vadd.f32 v44, v47;
	v47 =	vmul.f32 v43, v43  }
0xc0: {  	vm10 =	vgt.f32 v36, v50;
	v45 =	vadd.f32 v45, v46;
	v42 =	vsel vm11, v42, v48  }
0xc1: {  	v46 =	vmov s1;
	v42 =	vsel vm12, v53, v42;
	v39 =	vadd.f32 v39, v44  }
0xc2: {  	v36 =	vsel vm10, v36, v50;
	v40 =	vadd.f32 v40, v45;
	v44 =	vshll.u32 v46, $0x7  }
0xc3: {  	v44 =	vadd.s32 v5, v44;
	v38 =	vadd.f32 v38, v39;
	v39 =	vsel vm10, v54, v42  }
0xc4: {  	v40 =	vadd.f32 v41, v40;
	v42 =	vor.u32 $0x1, v44;
	v45 =	vor.u32 $0x2, v44  }
0xc5: {  	v41 =	vor.u32 $0x4, v44;
	v51 =	vor.u32 $0x5, v44;
	v50 =	vld.idx.msk [tilespmem:v52+s11+$0x0], $0xffff;
	v52 =	vor.u32 $0xC, v44  }
0xc6: {  	v53 =	vor.u32 $0x7, v44;
	v54 =	vor.u32 $0x8, v44;
	vm10 =	vgt.f32 v43, v36  }
0xc7: {  	v55 =	vor.u32 $0xA, v44;
	v56 =	vor.u32 $0xB, v44;
	v49 =	vsel vm10, v49, v39  }
0xc8: {  	v58 =	vor.u32 $0x9, v44;
	v48 =	vor.u32 $0xD, v44;
	v40 =	vadd.f32 v47, v40;
	v57 =	vld.idx.msk [tilespmem:v44+s3+$0x0], $0xffff  }
0xc9: {  	v47 =	vor.u32 $0x6, v44;
	v43 =	vsel vm10, v43, v36;
	v59 =	vadd.f32 v35, v38;
	v45 =	vld.idx.msk [tilespmem:v45+s3+$0x0], $0xffff  }
0xca: {  	v20 =	vsel vm9, v40, v20;
	v44 =	vor.u32 $0x3, v44;
	v60 =	vld.idx.msk [tilespmem:v41+s3+$0x0], $0xffff  }
0xcb: {  	v62 =	vmul.f32 v50, v24;
	v35 =	vmul.f32 v50, v34;
	v61 =	vld.idx.msk [tilespmem:v42+s3+$0x0], $0xffff  }
0xcc: {  	vm9 =	veq.s32 v46, $0x0;
	v63 =	vmul.f32 v50, v21;
	v38 =	vmul.f32 v50, v33;
	v36 =	vld.idx.msk [tilespmem:v52+s3+$0x0], $0xffff  }
0xcd: {  	v46 =	vmul.f32 v50, v27;
	v42 =	vmov s5;
	v52 =	vmul.f32 v50, v28;
	v39 =	vld.idx.msk [tilespmem:v56+s3+$0x0], $0xffff  }
0xce: {  	v41 =	vmul.f32 v57, v57;
	vm10 =	vgt.f32 v57, v43;
	v56 =	vmul.f32 v50, v23;
	v47 =	vld.idx.msk [tilespmem:v47+s3+$0x0], $0xffff  }
0xcf: {  	v4 =	vmul.f32 v50, v22;
	v43 =	vsel vm10, v57, v43;
	v49 =	vsel vm10, s5, v49;
	v9 =	vld.idx.msk [tilespmem:v44+s3+$0x0], $0xffff  }
0xd0: {  	v0 =	vmul.f32 v50, v26;
	v1 =	vadd.s32 $0x6, v42;
	v44 =	vadd.f32 v41, v40;
	v54 =	vld.idx.msk [tilespmem:v54+s3+$0x0], $0xffff  }
0xd1: {  	v2 =	vor.u32 $0x1, v42;
	v56 =	vmul.f32 v45, v56;
	v41 =	vmul.f32 v50, v32;
	v51 =	vld.idx.msk [tilespmem:v51+s3+$0x0], $0xffff  }
0xd2: {  	v7 =	vadd.s32 $0x5, v42;
	v3 =	vmul.f32 v45, v45;
	vm10 =	vgt.f32 v61, v43  }
0xd3: {  	v16 =	vmul.f32 v50, v30;
	v8 =	vadd.s32 $0x3, v42;
	v10 =	vadd.s32 $0x4, v42  }
0xd4: {  	v4 =	vmul.f32 v61, v4;
	v43 =	vsel vm10, v61, v43;
	v40 =	vmul.f32 v39, v39  }
0xd5: {  	v14 =	vmul.f32 v50, v31;
	v6 =	vadd.s32 $0x8, v42;
	v18 =	vmul.f32 v60, v60;
	v55 =	vld.idx.msk [tilespmem:v55+s3+$0x0], $0xffff  }
0xd6: {  	v15 =	vmul.f32 v50, v25;
	vm11 =	vgt.f32 v45, v43;
	v62 =	vmul.f32 v9, v62  }
0xd7: {  	v57 =	vmul.f32 v63, v57;
	v63 =	vadd.s32 $0x2, v42;
	v17 =	vmul.f32 v47, v46;
	v53 =	vld.idx.msk [tilespmem:v53+s3+$0x0], $0xffff  }
0xd8: {  	v46 =	vmul.f32 v61, v61;
	v43 =	vsel vm11, v45, v43;
	v61 =	vmul.f32 v47, v47  }
0xd9: {  	v15 =	vmul.f32 v60, v15;
	v2 =	vsel vm10, v2, v49;
	v45 =	vadd.f32 v57, v59  }
0xda: {  	v2 =	vsel vm11, v63, v2;
	vm10 =	vgt.f32 v9, v43;
	v46 =	vadd.f32 v46, v44  }
0xdb: {  	v4 =	vadd.f32 v4, v45;
	v43 =	vsel vm10, v9, v43;
	v44 =	vmul.f32 v55, v14;
	v49 =	vld.idx.msk [tilespmem:v58+s3+$0x0], $0xffff  }
0xdc: {  	v9 =	vmul.f32 v9, v9;
	vm11 =	vgt.f32 v60, v43;
	v0 =	vmul.f32 v51, v0  }
0xdd: {  	v14 =	vsel vm11, v60, v43;
	v43 =	vmul.f32 v51, v51;
	v57 =	vmul.f32 v53, v53  }
0xde: {  	v3 =	vadd.f32 v3, v46;
	v4 =	vadd.f32 v56, v4;
	vm12 =	vgt.f32 v51, v14  }
0xdf: {  	v45 =	vmul.f32 v50, v29;
	v14 =	vsel vm12, v51, v14;
	v51 =	vmul.f32 v54, v54  }
0xe0: {  	v3 =	vadd.f32 v9, v3;
	v9 =	vmul.f32 v53, v52;
	vm13 =	vgt.f32 v47, v14  }
0xe1: {  	v4 =	vadd.f32 v62, v4;
	v14 =	vsel vm13, v47, v14;
	v46 =	vmul.f32 v49, v49  }
0xe2: {  	v3 =	vadd.f32 v18, v3;
	v18 =	vmul.f32 v54, v45;
	vm14 =	vgt.f32 v53, v14  }
0xe3: {  	v4 =	vadd.f32 v15, v4;
	v45 =	vmul.f32 v55, v55;
	v14 =	vsel vm14, v53, v14  }
0xe4: {  	v3 =	vadd.f32 v43, v3;
	v47 =	vmul.f32 v49, v16;
	vm15 =	vgt.f32 v54, v14  }
0xe5: {  	v2 =	vsel vm10, v8, v2;
	v0 =	vadd.f32 v0, v4;
	v4 =	vsel vm15, v54, v14  }
0xe6: {  	v2 =	vsel vm11, v10, v2;
	v3 =	vadd.f32 v61, v3;
	vm10 =	vgt.f32 v49, v4  }
.Ltmp0:
0xe7: {  	v8 =	vadd.s32 $0x7, v42;
	v0 =	vadd.f32 v17, v0;
	v4 =	vsel vm10, v49, v4;
	(pc) =	sbr.rel @p0 .LBB2_3-.Ltmp0, $4  }
0xe8: {  	v2 =	vsel vm12, v7, v2;
	v3 =	vadd.f32 v57, v3;
	vm11 =	vgt.f32 v55, v4;
	v43 =	vld.idx.msk [tilespmem:v48+s3+$0x0], $0xffff  }
0xe9: {  	v1 =	vsel vm13, v1, v2;
	v0 =	vadd.f32 v9, v0;
	v2 =	vsel vm11, v55, v4  }
0xea: {  	v1 =	vsel vm14, v8, v1;
	vm12 =	vgt.f32 v39, v2;
	v48 =	vadd.f32 v51, v3  }
0xeb: {  	v49 =	vadd.f32 v18, v0;
	v51 =	vsel vm15, v6, v1;
	v50 =	vsel vm12, v39, v2  }
0xec: {  	v0 =	vadd.s32 $0x9, v42  }
0xed: {  	v1 =	vadd.s32 $0xA, v42;
	v0 =	vsel vm10, v0, v51  }
0xee: {  	v2 =	vadd.s32 $0xB, v42;
	vm10 =	vgt.f32 v36, v50;
	v0 =	vsel vm11, v1, v0  }
0xef: {  	v37 =	vadd.s32 $0xC, v42;
	v21 =	vsel vm10, v36, v50;
	v0 =	vsel vm12, v2, v0  }
0xf0: {  	v51 =	vadd.s32 $0xD, v42;
	v0 =	vsel vm10, v37, v0;
	vm10 =	vgt.f32 v43, v21  }
0xf1: {  	v22 =	vsel vm10, v51, v0  }
0xf2: {  	(v2sf) =	vpush v22, $0xD;
	_ =	sdelay $0x1  }
0xf3: {  	(v2sf) =	vpush v22, $0xC;
	_ =	sdelay $0x1  }
0xf4: {  	(v2sf) =	vpush v22, $0xE  }
0xf5: {  	(v2sf) =	vpush v22, $0xF  }
0xf6: {  	(v2sf) =	vpush v22, $0x9;
	_ =	sdelay $0x1  }
0xf7: {  	(v2sf) =	vpush v22, $0x8;
	_ =	sdelay $0x1  }
0xf8: {  	(v2sf) =	vpush v22, $0xA;
	_ =	sdelay $0x1  }
0xf9: {  	(v2sf) =	vpush v22, $0xB;
	_ =	sdelay $0x1  }
0xfa: {  	(v2sf) =	vpush v22, $0x1  }
0xfb: {  	s1 =	spop (v2sf);
	(v2sf) =	vpush v22, $0x0  }
0xfc: {  	s5 =	smulhi.u32 $0x92492493, s1;
	s7 =	sshra.s32 s1, $0x1F  }
0xfd: {  	s31 =	spop (v2sf);
	s7 =	smul.u32 $0x92492493, s7  }
0xfe: {  	s10 =	smulhi.u32 $0x92492493, s31;
	s14 =	sshra.s32 s31, $0x1F  }
0xff: {  	s9 =	spop (v2sf);
	s14 =	smul.u32 $0x92492493, s14  }
0x100: {  	(v2sf) =	vpush v22, $0x2;
	s0 =	spop (v2sf);
	s15 =	smulhi.u32 $0x92492493, s9;
	s16 =	sshra.s32 s9, $0x1F  }
0x101: {  	s1 =	ssub.s32 s5, s1;
	s17 =	spop (v2sf);
	s16 =	smul.u32 $0x92492493, s16  }
0x102: {  	(v2sf) =	vpush v22, $0x3;
	s19 =	smulhi.u32 $0x92492493, s0;
	s24 =	sshra.s32 s0, $0x1F;
	s1 =	sadd.s32 s7, s1  }
0x103: {  	s31 =	ssub.s32 s10, s31;
	s18 =	spop (v2sf);
	s10 =	smul.u32 $0x92492493, s24  }
0x104: {  	(v2sf) =	vpush v22, $0x4;
	s20 =	smulhi.u32 $0x92492493, s17;
	s22 =	sshra.s32 s17, $0x1F;
	s7 =	sadd.s32 s14, s31  }
0x105: {  	s9 =	ssub.s32 s15, s9;
	s21 =	spop (v2sf);
	s14 =	smul.u32 $0x92492493, s22  }
0x106: {  	(v2sf) =	vpush v22, $0x5;
	s15 =	smulhi.u32 $0x92492493, s18;
	s23 =	sshra.s32 s18, $0x1F;
	s5 =	sadd.s32 s16, s9  }
0x107: {  	s0 =	ssub.s32 s19, s0;
	s22 =	spop (v2sf);
	s9 =	smul.u32 $0x92492493, s23  }
0x108: {  	(v2sf) =	vpush v22, $0x6;
	s16 =	smulhi.u32 $0x92492493, s21;
	s24 =	sshra.s32 s21, $0x1F;
	s31 =	sadd.s32 s10, s0  }
0x109: {  	s0 =	ssub.s32 s20, s17;
	s23 =	spop (v2sf);
	s10 =	smul.u32 $0x92492493, s24  }
0x10a: {  	s17 =	smulhi.u32 $0x92492493, s22;
	s19 =	sshra.s32 s22, $0x1F;
	s20 =	spop (v2sf);
	(v2sf) =	vpush v22, $0x7  }
0x10b: {  	s0 =	sadd.s32 s14, s0;
	s15 =	ssub.s32 s15, s18;
	s14 =	smul.u32 $0x92492493, s19  }
0x10c: {  	s18 =	smulhi.u32 $0x92492493, s23;
	s19 =	sshra.s32 s23, $0x1F;
	s21 =	ssub.s32 s16, s21  }
0x10d: {  	s9 =	sadd.s32 s9, s15;
	s16 =	smul.u32 $0x92492493, s19;
	s10 =	sadd.s32 s10, s21  }
0x10e: {  	s17 =	ssub.s32 s17, s22;
	s15 =	smulhi.u32 $0x92492493, s20;
	s19 =	sshra.s32 s20, $0x1F  }
0x10f: {  	s18 =	ssub.s32 s18, s23;
	s24 =	spop (v2sf);
	s19 =	smul.u32 $0x92492493, s19  }
0x110: {  	s14 =	sadd.s32 s14, s17;
	s22 =	smulhi.u32 $0x92492493, s24;
	s23 =	sshra.s32 s24, $0x1F  }
0x111: {  	s16 =	sadd.s32 s16, s18;
	s21 =	spop (v2sf);
	s17 =	smul.u32 $0x92492493, s23  }
0x112: {  	s15 =	ssub.s32 s15, s20;
	s18 =	smulhi.u32 $0x92492493, s21;
	s20 =	sshra.s32 s21, $0x1F  }
0x113: {  	s23 =	spop (v2sf);
	s15 =	sadd.s32 s19, s15;
	s19 =	smul.u32 $0x92492493, s20  }
0x114: {  	s20 =	ssub.s32 s22, s24;
	s22 =	smulhi.u32 $0x92492493, s23;
	s24 =	sshra.s32 s23, $0x1F  }
0x115: {  	s17 =	sadd.s32 s17, s20;
	s20 =	spop (v2sf);
	s24 =	smul.u32 $0x92492493, s24  }
0x116: {  	v52 =	vmov s15;
	s15 =	ssub.s32 s18, s21;
	s18 =	smulhi.u32 $0x92492493, s20;
	s21 =	sshra.s32 s20, $0x1F  }
0x117: {  	s15 =	sadd.s32 s19, s15;
	s19 =	spop (v2sf);
	v0 =	vnsel vm1, $0x0, v52;
	s21 =	smul.u32 $0x92492493, s21  }
0x118: {  	v0 =	vsel vm2, s16, v0;
	s16 =	ssub.s32 s22, s23;
	s22 =	smulhi.u32 $0x92492493, s19;
	s23 =	sshra.s32 s19, $0x1F  }
0x119: {  	v55 =	vld [tilespmem:$0x1FFD0];
	v53 =	vmov s7;
	v54 =	vmov s9;
	v0 =	vsel vm3, s17, v0;
	s9 =	sadd.s32 s24, s16;
	s24 =	smul.u32 $0x92492493, s23;
	s16 =	spop (v2sf)  }
0x11a: {  	v56 =	vld [tilespmem:$0x1FFE0];
	v1 =	vsel vm2, s1, v53;
	v2 =	vsel vm2, s0, v54;
	s17 =	ssub.s32 s18, s20;
	v0 =	vsel vm4, s15, v0;
	s18 =	smulhi.u32 $0x92492493, s16;
	s20 =	sshra.s32 s16, $0x1F  }
0x11b: {  	v1 =	vsel vm3, s5, v1;
	v2 =	vsel vm3, s10, v2;
	s0 =	sadd.s32 s21, s17;
	s22 =	ssub.s32 s22, s19;
	v0 =	vsel vm5, s9, v0;
	s23 =	smul.u32 $0x92492493, s20  }
0x11c: {  	v1 =	vsel vm4, s31, v1;
	v2 =	vsel vm4, s14, v2;
	s24 =	sadd.s32 s24, s22;
	v0 =	vsel vm6, s0, v0;
	s1 =	ssub.s32 s18, s16  }
0x11d: {  	v1 =	vcombine.low v2, v1;
	v0 =	vsel vm0, s24, v0;
	s31 =	sadd.s32 s23, s1  }
0x11e: {  	v0 =	vsel vm7, s31, v0  }
0x11f: {  	v1 =	vperm.xlane v1, v55;
	v0 =	vperm.xlane v0, v56;
	_ =	sdelay $0x1  }
0x120: {  	v0 =	vsel vm8, v0, v1  }
0x121: {  	v0 =	vadd.s32 v22, v0  }
0x122: {  	v57 =	vshrl.u32 v0, $0x1F;
	v0 =	vshra.s32 v0, $0x3  }
0x123: {  	v0 =	vadd.s32 v57, v0  }
0x124: {  	v1 =	vmul.u32 $0xFFFFFFF2, v0  }
0x125: {  	v59 =	vimm.s32 $0x0;
	v60 =	vadd.f32 v47, v49;
	v58 =	vsub.s32 $0x0, v22  }
0x126: {  	v3 =	vadd.f32 v46, v48;
	vm11 =	vlt.s32 v22, $0x1;
	vm12 =	vne.s32 v1, v58  }
0x127: {  	v61 =	vmul.f32 v39, v41;
	v2 =	vadd.f32 v44, v60;
	vm11 =	vmand vm11, vm12  }
0x128: {  	v7 =	vmul.f32 v36, v38;
	v1 =	vsel vm11, $0xFFFFFFFF, v59  }
0x129: {  	v3 =	vadd.f32 v45, v3;
	v0 =	vadd.s32 v1, v0;
	v1 =	vadd.f32 v61, v2;
	_ =	sdelay $0x1  }
0x12a: {  	v4 =	vmul.f32 v36, v36;
	v3 =	vadd.f32 v40, v3;
	v1 =	vadd.f32 v7, v1;
	v7 =	vld [tilespmem:$0x1FF40];
	_ =	sdelay $0x1  }
0x12b: {  	v15 =	vld [tilespmem:$0x1FFF0];
	v8 =	vmul.f32 v43, v43;
	v3 =	vadd.f32 v4, v3  }
0x12c: {  	v17 =	vld [tilespmem:$0x1FFC0]  }
0x12d: {  	v3 =	vadd.f32 v8, v3;
	v8 =	vld [tilespmem:$0x1FF50];
	_ =	sdelay $0x1  }
0x12e: {  	v6 =	vmul.u32 $0xFFFFFFF2, v0;
	v9 =	vshll.u32 v0, $0x7  }
0x12f: {  	v4 =	vld.idx.msk [tilespmem:v19+s12+$0x0], $0xffff;
	v14 =	vadd.s32 v5, v9  }
0x130: {  	v9 =	vadd.s32 v15, v9;
	v15 =	vmul.f32 v43, v35;
	v6 =	vadd.s32 v22, v6;
	v7 =	vld.idx.msk [tilespmem:v7+s12+$0x0], $0xffff  }
0x131: {  	v16 =	vimm.f32 $0.0e+00;
	v8 =	vmul.f32 v17, v8;
	v10 =	vand.u32 $0xFFFFFF80, v6  }
0x132: {  	v62 =	vand.u32 $0x7F, v6;
	v1 =	vadd.f32 v15, v1;
	v14 =	vadd.s32 v14, v10  }
0x133: {  	v9 =	vadd.s32 v9, v10;
	v10 =	vsel vm9, v3, v20;
	vm9 =	veq.f32 v8, $1.000000000e+00  }
0x134: {  	v14 =	vor.u32 v62, v14;
	v16 =	vsel vm9, $0xC0000000, v16  }
0x135: {  	v1 =	vmul.f32 v1, v16;
	v4 =	vmul.f32 v7, v4  }
0x136: {  	v6 =	vcvt.s32.f32 v6;
	v15 =	vld [tilespmem:$0x1FF60];
	v2 =	vor.u32 v62, v9  }
0x137: {  	v9 =	vsel vm10, v43, v21;
	v1 =	vadd.f32 v1, v3;
	v3 =	vnsel vm9, $0x0, v4;
	v4 =	vld [tilespmem:$0x1FF30]  }
0x138: {  	v0 =	vcvt.s32.f32 v0;
	vm10 =	vgt.f32 v9, $5.000000000e-01;
	v9 =	vld [tilespmem:$0x1FF70]  }
0x139: {  	v6 =	vmul.f32 $7.142857460e-02, v6;
	v14 =	vld.idx.msk [tilespmem:v14+s30+$0x0], $0xffff  }
0x13a: {  	v0 =	vmul.f32 $7.142857460e-02, v0  }
0x13b: {  	v6 =	vnsel vm10, $0x0, v6;
	v15 =	vmul.f32 v17, v15;
	v2 =	vld.idx.msk [tilespmem:v2+s30+$0x0], $0xffff;
	v7 =	vmul.f32 $7.142857460e-02, v8  }
0x13c: {  	v0 =	vnsel vm10, $0x0, v0;
	v4 =	vsub.f32 v6, v4  }
0x13d: {  	v0 =	vsub.f32 v0, v9;
	v6 =	vnsel vm10, $0x0, v7;
	v7 =	vmul.f32 $7.142857460e-02, v15  }
0x13e: {  	v6 =	vmul.f32 v14, v6;
	v4 =	vmul.f32 v4, v8  }
0x13f: {  	v0 =	vmul.f32 v0, v15;
	v7 =	vnsel vm10, $0x0, v7  }
0x140: {  	s2 =	sadd.s32 $0x1, s2;
	v1 =	vadd.f32 v3, v1;
	v2 =	vmul.f32 v2, v7;
	v4 =	vadd.f32 v6, v4  }
0x141: {  	p0 =	sne.s32 s2, $0x20;
	v3 =	vsel vm9, $0x0, v10  }
.Ltmp1:
0x142: {  	v1 =	vsub.f32 v1, v3;
	v0 =	vadd.f32 v2, v0;
	v63 =	vmul.f32 v4, v4;
	(pc) =	sbr.rel @p0 .LBB2_2-.Ltmp1, $4  }
0x143: {  	v3 =	vadd.f32 v8, v12  }
0x144: {  	v1 =	vmul.f32 v17, v1;
	v0 =	vmul.f32 v0, v0;
	v2 =	vadd.f32 v63, v13  }
0x145: {  	v12 =	vadd.f32 v15, v3  }
0x146: {  	v11 =	vadd.f32 v1, v11;
	v13 =	vadd.f32 v0, v2  }
0x147: {  	_ = 	snop  }
0x148: {  	v0 =	vadd.f32 v13, v11  }
0x149: {  	[tilespmem:$0x14100] =	vst v12  }
0x14a: {  	s0 =	rddreg [dreg:$0x5];
	s1 =	simm.s32 $0x14080;
	[tilespmem:$0x14080] =	vst v0  }
0x14b: {  	[hbm4b:s0+s3] =	stream.linear.scatter [tilespmem:s1], [sflag:$0x2], $0x100, $0x38;
	[tilespmem:$0x14180] =	vst v63  }
0x14c: {  	s1 =	simm.s32 $0x2  }
0x14d: {  	_ =	swait.ge [sflag:s1], $0x100  }
0x14e: {  	s2 =	rddreg [dreg:$0x7]  }
0x14f: {  	s31 =	rddreg [dreg:$0x6];
	s2 =	sadd.s32 $0x1, s2  }
0x150: {  	p0 =	sne.s32 s2, s31  }
.Ltmp2:
0x151: {  	_ = 	snop;
	(pc) =	sbr.rel @p0 .LBB2_1-.Ltmp2, $3  }
0x152: {  	_ =	sdelay $0x1  }
0x153: {  	[sflag:s1] =	ssyncset.done $0x0  }
0x154: {  	[sflag:s1] =	ssyncadd.s32 $0xFFFFFF00  }
0x155: {  	_ =	sfence.sel $0x180000  }
0x156: {  	[bflag:$0x0] =	sbarrier.arrive $0xFFFF  }
0x157: {  	_ =	strace $0x90000047  }
0x158: {  	s0 =	stileid.u32;
	[bflag:$0x2] =	sbarrier.arrive $0xFFFF  }
0x159: {  	p0 =	sne.s32 s0, $0x0;
	s0 =	rddreg [dreg:$0x2]  }
0x15a: {  	s0 =	sadd.s32 @!p0 $0x100000, s0  }
0x15b: {  	[sflag:s0] =	ssyncadd.tile.s32 @!p0 $0x1;
	_ =	shalt  }
.Lfunc_end2:
_tile_overlayer_lowered:
.L_overlay_start_2:
0x15c: {  	(tag) =	ssettag $0x2  }
0x15d: {  	s0 =	rddreg [dreg:$0x0];
	s2 =	stileid.u32  }
0x15e: {  	s1 =	rddreg [dreg:$0x1];
	p0 =	sne.s32 s2, $0x0  }
0x15f: {  	s3 =	rddreg [dreg:$0x2];
	[bflag:$0x3] =	sbarrier.arrive $0xFFFF;
	s2 =	simm.s32 @!p0 $0x1C02  }
0x160: {  	[timem:s3], [sflag:s2] =	dma.local @!p0 [hbm:s0], s1  }
0x161: {  	s0 =	simm.s32 @!p0 $0x2  }
0x162: {  	_ =	swait.ge @!p0 [sflag:s0], s1  }
0x163: {  	s1 =	ssub.s32 @!p0 $0x0, s1;
	[sflag:s0] =	ssyncset.done @!p0 $0x0  }
0x164: {  	[sflag:s0] =	ssyncadd.s32 @!p0 s1  }
0x165: {  	[bflag:$0x3] =	sbarrier.arrive $0xFFFF  }
0x166: {  	_ =	shalt  }

</sc_bundles>
